<compile_context>
chip_gen: v7x
topology: tpu7x:2x2x1
jax: 0.10.2.dev20260603
libtpu: 0.0.44.dev20260713+nightly
codegen_flags: <defaults>
</compile_context>

<pallas_src>
import functools

import jax
import jax.numpy as jnp
from jax import lax
from jax.experimental import pallas as pl
from jax.experimental.pallas import tpu as pltpu
from jax.experimental.pallas import tpu_sc as plsc

_NC = 2
_NS = 16

_CHUNK = 4096


def _gather_transposed(emb_t, u, v):
    D, V = emb_t.shape
    B = u.shape[0]
    n_chunks = B // _CHUNK

    mesh = plsc.VectorSubcoreMesh(core_axis_name="c", subcore_axis_name="s")

    @functools.partial(
        pl.kernel,
        mesh=mesh,
        compiler_params=pltpu.CompilerParams(needs_layout_passes=False),
        out_type=jax.ShapeDtypeStruct((2 * D, B), jnp.float32),
        scratch_types=[
            pltpu.VMEM((V,), jnp.float32),
            pltpu.VMEM((_CHUNK,), jnp.int32),
            pltpu.VMEM((_CHUNK,), jnp.int32),
            pltpu.VMEM((_CHUNK,), jnp.int32),
            pltpu.VMEM((_CHUNK,), jnp.int32),
            pltpu.VMEM((_CHUNK,), jnp.float32),
            pltpu.VMEM((_CHUNK,), jnp.float32),
            pltpu.VMEM((_CHUNK,), jnp.float32),
            pltpu.SemaphoreType.DMA,
            pltpu.SemaphoreType.DMA,
            pltpu.SemaphoreType.DMA,
            pltpu.SemaphoreType.DMA,
            pltpu.SemaphoreType.DMA,
            pltpu.SemaphoreType.DMA,
            pltpu.SemaphoreType.DMA,
        ],
    )
    def gather_k(emb_hbm, u_hbm, v_hbm, xt_hbm, feat,
                 idxb0, idxb1, idxb2, idxb3, outb0, outb1, outb2,
                 si0, si1, si2, si3, so0, so1, so2):
        wid = lax.axis_index("s") * _NC + lax.axis_index("c")
        idxb = (idxb0, idxb1, idxb2, idxb3)
        outb = (outb0, outb1, outb2)
        si = (si0, si1, si2, si3)
        so = (so0, so1, so2)
        tasks = [(u_hbm, wid, c) for c in range(n_chunks)]
        tasks += [(v_hbm, wid + D, c) for c in range(n_chunks)]
        nt = len(tasks)

        def start_idx(t):
            idx_hbm, _, c = tasks[t]
            slot = t % 4
            return pltpu.async_copy(
                idx_hbm.at[pl.ds(c * _CHUNK, _CHUNK)], idxb[slot], si[slot])

        h_idx = {t: start_idx(t) for t in range(min(4, nt))}
        pltpu.sync_copy(emb_hbm.at[wid], feat)
        h_out = {}
        for t in range(nt):
            islot = t % 4
            oslot = t % 3
            h_idx[t].wait()
            if t + 4 < nt:
                h_idx[t + 4] = start_idx(t + 4)
            if t >= 3:
                h_out[t - 3].wait()
            src = idxb[islot]
            dst = outb[oslot]

            @plsc.parallel_loop(0, _CHUNK // 16, unroll=16)
            def _(i):
                iv = src[pl.ds(i * 16, 16)]
                dst[pl.ds(i * 16, 16)] = plsc.load_gather(feat, [iv])

            _, row, c = tasks[t]
            h_out[t] = pltpu.async_copy(
                outb[oslot], xt_hbm.at[row, pl.ds(c * _CHUNK, _CHUNK)],
                so[oslot])
        h_out[nt - 3].wait()
        h_out[nt - 2].wait()
        h_out[nt - 1].wait()

    return gather_k(emb_t, u, v)


def _mlp_t(xt, w1, b1, w2, b2, w3, b3):
    D2, B = xt.shape
    blk = 8192
    dot = functools.partial(
        lax.dot_general, preferred_element_type=jnp.float32)
    dims = (((1,), (0,)), ((), ()))

    def body(xt_ref, w1_ref, b1_ref, w2_ref, b2_ref, w3_ref, b3_ref, o_ref):
        h = jnp.maximum(dot(w1_ref[...], xt_ref[...], dims) + b1_ref[...], 0.0)
        h = jnp.maximum(dot(w2_ref[...], h, dims) + b2_ref[...], 0.0)
        o_ref[...] = dot(w3_ref[...], h, dims) + b3_ref[...]

    return pl.pallas_call(
        body,
        grid=(B // blk,),
        in_specs=[
            pl.BlockSpec((D2, blk), lambda i: (0, i)),
            pl.BlockSpec((128, D2), lambda i: (0, 0)),
            pl.BlockSpec((128, 1), lambda i: (0, 0)),
            pl.BlockSpec((64, 128), lambda i: (0, 0)),
            pl.BlockSpec((64, 1), lambda i: (0, 0)),
            pl.BlockSpec((1, 64), lambda i: (0, 0)),
            pl.BlockSpec((1, 1), lambda i: (0, 0)),
        ],
        out_specs=pl.BlockSpec((1, blk), lambda i: (0, i)),
        out_shape=jax.ShapeDtypeStruct((1, B), jnp.float32),
    )(xt, w1, b1, w2, b2, w3, b3)


def kernel(u, v, emb, W1, b1, W2, b2, W3, b3):
    u = u.astype(jnp.int32)
    v = v.astype(jnp.int32)
    xt = _gather_transposed(emb.T, u, v)
    out_t = _mlp_t(xt, W1, b1.reshape(-1, 1), W2, b2.reshape(-1, 1),
                   W3, b3.reshape(-1, 1))
    return out_t.reshape(-1, 1)

# --- scband reference (transcript-rebuilt; emitter-appended) ---
"""Pipeline reference for scband-direct-model-46557445489437 (READ-ONLY COPY).

The authoritative reference and input builder live on the scoring server;
editing this copy changes nothing except your own understanding.
"""

import jax, jax.numpy as jnp
import numpy as np

B = 16384
V = 100000
D = 32

def setup_inputs(seed: int = 0):
    key = jax.random.key(seed)
    ks = jax.random.split(key, 8)
    u = jax.random.randint(ks[0], (B,), 0, V)
    v = jax.random.randint(ks[1], (B,), 0, V)
    emb = jax.random.normal(ks[2], (V, D), dtype=jnp.float32)
    W1 = jax.random.normal(ks[3], (128, 2 * D), dtype=jnp.float32) * 0.05
    b1 = jnp.zeros((128,), dtype=jnp.float32)
    W2 = jax.random.normal(ks[4], (64, 128), dtype=jnp.float32) * 0.05
    b2 = jnp.zeros((64,), dtype=jnp.float32)
    W3 = jax.random.normal(ks[5], (1, 64), dtype=jnp.float32) * 0.05
    b3 = jnp.zeros((1,), dtype=jnp.float32)
    return {"u": u, "v": v, "emb": emb, "W1": W1, "b1": b1, "W2": W2, "b2": b2, "W3": W3, "b3": b3}

def reference(u, v, emb, W1, b1, W2, b2, W3, b3):
    u_emb = jnp.take(emb, u, axis=0)
    v_emb = jnp.take(emb, v, axis=0)
    x = jnp.concatenate([u_emb, v_emb], axis=1)
    h = jax.nn.relu(x @ W1.T + b1)
    h = jax.nn.relu(h @ W2.T + b2)
    out = h @ W3.T + b3
    return out

if __name__ == "__main__":
    import jax
    _d = setup_inputs()
    print(jax.jit(kernel)(*tuple(_d.values())))

</pallas_src>

<mosaic_0001>
#map = affine_map<(d0, d1) -> (0, 0)>
#map1 = affine_map<(d0, d1) -> (0)>
module attributes {stable_mosaic.version = 14 : i64} {
  func.func @gather_k(%arg0: i32, %arg1: i32, %arg2: memref<32x100000xf32, #tpu.memory_space<hbm>>, %arg3: memref<16384xi32, #tpu.memory_space<hbm>>, %arg4: memref<16384xi32, #tpu.memory_space<hbm>>, %arg5: memref<64x16384xf32, #tpu.memory_space<hbm>>, %arg6: memref<100000xf32, #tpu.memory_space<vmem>>, %arg7: memref<4096xi32, #tpu.memory_space<vmem>>, %arg8: memref<4096xi32, #tpu.memory_space<vmem>>, %arg9: memref<4096xi32, #tpu.memory_space<vmem>>, %arg10: memref<4096xi32, #tpu.memory_space<vmem>>, %arg11: memref<4096xf32, #tpu.memory_space<vmem>>, %arg12: memref<4096xf32, #tpu.memory_space<vmem>>, %arg13: memref<4096xf32, #tpu.memory_space<vmem>>, %arg14: memref<!tpu.dma_semaphore, #tpu.memory_space<semaphore_mem>>, %arg15: memref<!tpu.dma_semaphore, #tpu.memory_space<semaphore_mem>>, %arg16: memref<!tpu.dma_semaphore, #tpu.memory_space<semaphore_mem>>, %arg17: memref<!tpu.dma_semaphore, #tpu.memory_space<semaphore_mem>>, %arg18: memref<!tpu.dma_semaphore, #tpu.memory_space<semaphore_mem>>, %arg19: memref<!tpu.dma_semaphore, #tpu.memory_space<semaphore_mem>>, %arg20: memref<!tpu.dma_semaphore, #tpu.memory_space<semaphore_mem>>) attributes {dimension_semantics = [#tpu.dimension_semantics<core_parallel>, #tpu.dimension_semantics<subcore_parallel>], iteration_bounds = array<i64: 2, 16>, scalar_prefetch = 0 : i64, scratch_operands = 15 : i64, tpu.core_type = #tpu.core_type<sc_vector_subcore>, window_params = [{transform_indices = #map}, {transform_indices = #map1}, {transform_indices = #map1}, {transform_indices = #map}]} {
    %mul3A = arith.constant 2 : i32
    %mul3A_0 = arith.muli %arg1, %mul3A : i32
    %add3A = arith.addi %mul3A_0, %arg0 : i32
    %add3A_1 = arith.constant 32 : i32
    %add3A_2 = arith.addi %add3A, %add3A_1 : i32
    %add3A_3 = arith.constant 32 : i32
    %add3A_4 = arith.addi %add3A, %add3A_3 : i32
    %add3A_5 = arith.constant 32 : i32
    %add3A_6 = arith.addi %add3A, %add3A_5 : i32
    %add3A_7 = arith.constant 32 : i32
    %add3A_8 = arith.addi %add3A, %add3A_7 : i32
    %dma_start3A = arith.constant 0 : i32
    %dma_start3A_9 = tpu.memref_slice %arg3[%dma_start3A] : memref<16384xi32, #tpu.memory_space<hbm>> -> memref<4096xi32, #tpu.memory_space<hbm>>
    %dma_start3A_10 = arith.constant 0 : i32
    %dma_start3A_11 = tpu.memref_slice %arg3[%dma_start3A_10] : memref<16384xi32, #tpu.memory_space<hbm>> -> memref<4096xi32, #tpu.memory_space<hbm>>
    tpu.enqueue_dma source(%dma_start3A_11 : memref<4096xi32, #tpu.memory_space<hbm>>) target(%arg7 : memref<4096xi32, #tpu.memory_space<vmem>>) target_semaphore(%arg14 : memref<!tpu.dma_semaphore, #tpu.memory_space<semaphore_mem>>)
    %dma_start3A_12 = arith.constant 4096 : i32
    %dma_start3A_13 = tpu.memref_slice %arg3[%dma_start3A_12] : memref<16384xi32, #tpu.memory_space<hbm>> -> memref<4096xi32, #tpu.memory_space<hbm>>
    %dma_start3A_14 = arith.constant 4096 : i32
    %dma_start3A_15 = tpu.memref_slice %arg3[%dma_start3A_14] : memref<16384xi32, #tpu.memory_space<hbm>> -> memref<4096xi32, #tpu.memory_space<hbm>>
    tpu.enqueue_dma source(%dma_start3A_15 : memref<4096xi32, #tpu.memory_space<hbm>>) target(%arg8 : memref<4096xi32, #tpu.memory_space<vmem>>) target_semaphore(%arg15 : memref<!tpu.dma_semaphore, #tpu.memory_space<semaphore_mem>>)
    %dma_start3A_16 = arith.constant 8192 : i32
    %dma_start3A_17 = tpu.memref_slice %arg3[%dma_start3A_16] : memref<16384xi32, #tpu.memory_space<hbm>> -> memref<4096xi32, #tpu.memory_space<hbm>>
    %dma_start3A_18 = arith.constant 8192 : i32
    %dma_start3A_19 = tpu.memref_slice %arg3[%dma_start3A_18] : memref<16384xi32, #tpu.memory_space<hbm>> -> memref<4096xi32, #tpu.memory_space<hbm>>
    tpu.enqueue_dma source(%dma_start3A_19 : memref<4096xi32, #tpu.memory_space<hbm>>) target(%arg9 : memref<4096xi32, #tpu.memory_space<vmem>>) target_semaphore(%arg16 : memref<!tpu.dma_semaphore, #tpu.memory_space<semaphore_mem>>)
    %dma_start3A_20 = arith.constant 12288 : i32
    %dma_start3A_21 = tpu.memref_slice %arg3[%dma_start3A_20] : memref<16384xi32, #tpu.memory_space<hbm>> -> memref<4096xi32, #tpu.memory_space<hbm>>
    %dma_start3A_22 = arith.constant 12288 : i32
    %dma_start3A_23 = tpu.memref_slice %arg3[%dma_start3A_22] : memref<16384xi32, #tpu.memory_space<hbm>> -> memref<4096xi32, #tpu.memory_space<hbm>>
    tpu.enqueue_dma source(%dma_start3A_23 : memref<4096xi32, #tpu.memory_space<hbm>>) target(%arg10 : memref<4096xi32, #tpu.memory_space<vmem>>) target_semaphore(%arg17 : memref<!tpu.dma_semaphore, #tpu.memory_space<semaphore_mem>>)
    "tpu.region"() ({
      %run_scoped3A = tpu.sem_alloc : memref<!tpu.dma_semaphore, #tpu.memory_space<semaphore_mem>>
      %dma_start3A_190 = arith.constant 0 : i32
      %dma_start3A_191 = tpu.memref_slice %arg2[%add3A, %dma_start3A_190] : memref<32x100000xf32, #tpu.memory_space<hbm>> -> memref<1x100000xf32, #tpu.memory_space<hbm>>
      %dma_start3A_192 = tpu.memref_squeeze %dma_start3A_191 : memref<1x100000xf32, #tpu.memory_space<hbm>> -> memref<100000xf32, #tpu.memory_space<hbm>>
      %dma_start3A_193 = arith.constant 0 : i32
      %dma_start3A_194 = tpu.memref_slice %arg2[%add3A, %dma_start3A_193] : memref<32x100000xf32, #tpu.memory_space<hbm>> -> memref<1x100000xf32, #tpu.memory_space<hbm>>
      %dma_start3A_195 = tpu.memref_squeeze %dma_start3A_194 : memref<1x100000xf32, #tpu.memory_space<hbm>> -> memref<100000xf32, #tpu.memory_space<hbm>>
      tpu.enqueue_dma source(%dma_start3A_195 : memref<100000xf32, #tpu.memory_space<hbm>>) target(%arg6 : memref<100000xf32, #tpu.memory_space<vmem>>) target_semaphore(%run_scoped3A : memref<!tpu.dma_semaphore, #tpu.memory_space<semaphore_mem>>)
      %dma_wait3A_196 = arith.constant 0 : i32
      %dma_wait3A_197 = tpu.memref_slice %arg2[%add3A, %dma_wait3A_196] : memref<32x100000xf32, #tpu.memory_space<hbm>> -> memref<1x100000xf32, #tpu.memory_space<hbm>>
      %dma_wait3A_198 = tpu.memref_squeeze %dma_wait3A_197 : memref<1x100000xf32, #tpu.memory_space<hbm>> -> memref<100000xf32, #tpu.memory_space<hbm>>
      %dma_wait3A_199 = arith.constant 0 : i32
      %dma_wait3A_200 = tpu.memref_slice %arg2[%add3A, %dma_wait3A_199] : memref<32x100000xf32, #tpu.memory_space<hbm>> -> memref<1x100000xf32, #tpu.memory_space<hbm>>
      %dma_wait3A_201 = tpu.memref_squeeze %dma_wait3A_200 : memref<1x100000xf32, #tpu.memory_space<hbm>> -> memref<100000xf32, #tpu.memory_space<hbm>>
      tpu.wait_dma2 semaphore(%run_scoped3A : memref<!tpu.dma_semaphore, #tpu.memory_space<semaphore_mem>>) src(%dma_wait3A_201 : memref<100000xf32, #tpu.memory_space<hbm>>) dst(%arg6 : memref<100000xf32, #tpu.memory_space<vmem>>)
      tpu.yield
    }) : () -> ()
    %dma_wait3A = arith.constant 0 : i32
    %dma_wait3A_24 = tpu.memref_slice %arg3[%dma_wait3A] : memref<16384xi32, #tpu.memory_space<hbm>> -> memref<4096xi32, #tpu.memory_space<hbm>>
    %dma_wait3A_25 = arith.constant 0 : i32
    %dma_wait3A_26 = tpu.memref_slice %arg3[%dma_wait3A_25] : memref<16384xi32, #tpu.memory_space<hbm>> -> memref<4096xi32, #tpu.memory_space<hbm>>
    tpu.wait_dma2 semaphore(%arg14 : memref<!tpu.dma_semaphore, #tpu.memory_space<semaphore_mem>>) src(%dma_wait3A_26 : memref<4096xi32, #tpu.memory_space<hbm>>) dst(%arg7 : memref<4096xi32, #tpu.memory_space<vmem>>)
    %dma_start3A_27 = arith.constant 0 : i32
    %dma_start3A_28 = tpu.memref_slice %arg4[%dma_start3A_27] : memref<16384xi32, #tpu.memory_space<hbm>> -> memref<4096xi32, #tpu.memory_space<hbm>>
    %dma_start3A_29 = arith.constant 0 : i32
    %dma_start3A_30 = tpu.memref_slice %arg4[%dma_start3A_29] : memref<16384xi32, #tpu.memory_space<hbm>> -> memref<4096xi32, #tpu.memory_space<hbm>>
    tpu.enqueue_dma source(%dma_start3A_30 : memref<4096xi32, #tpu.memory_space<hbm>>) target(%arg7 : memref<4096xi32, #tpu.memory_space<vmem>>) target_semaphore(%arg14 : memref<!tpu.dma_semaphore, #tpu.memory_space<semaphore_mem>>)
    %parallel_loop3A = arith.constant 0 : i32
    %parallel_loop3A_31 = arith.constant 256 : i32
    %parallel_loop3A_32 = arith.constant 1 : i32
    scf.for %parallel_loop3A_190 = %parallel_loop3A to %parallel_loop3A_31 step %parallel_loop3A_32  : i32 {
      %parallel_loop3A_191 = arith.constant 16 : i32
      %parallel_loop3A_192 = arith.muli %parallel_loop3A_190, %parallel_loop3A_191 : i32
      %parallel_loop3A_193 = arith.index_cast %parallel_loop3A_192 : i32 to index
      %parallel_loop3A_194 = tpu.vector_load %arg7[%parallel_loop3A_193] {strides = array<i32>} : memref<4096xi32, #tpu.memory_space<vmem>>, vector<16xi32>,
      %parallel_loop3A_195 = tpu.vector_load_idx %arg6[%parallel_loop3A_194] : memref<100000xf32, #tpu.memory_space<vmem>>[vector<16xi32>], vector<16xf32>,
      %parallel_loop3A_196 = arith.constant 16 : i32
      %parallel_loop3A_197 = arith.muli %parallel_loop3A_190, %parallel_loop3A_196 : i32
      %parallel_loop3A_198 = arith.index_cast %parallel_loop3A_197 : i32 to index
      %parallel_loop3A_199 = tpu.vector_load %arg11[%parallel_loop3A_198] {strides = array<i32>} : memref<4096xf32, #tpu.memory_space<vmem>>, vector<16xf32>,
      tpu.vector_store %arg11[%parallel_loop3A_198], %parallel_loop3A_195 {strides = array<i32>} : memref<4096xf32, #tpu.memory_space<vmem>>, vector<16xf32>,
    } {sc.loop_unroll_factor = 16 : i64, sc.parallel_access}
    %dma_start3A_33 = arith.constant 0 : i32
    %dma_start3A_34 = tpu.memref_slice %arg5[%add3A, %dma_start3A_33] : memref<64x16384xf32, #tpu.memory_space<hbm>> -> memref<1x4096xf32, #tpu.memory_space<hbm>>
    %dma_start3A_35 = tpu.memref_squeeze %dma_start3A_34 : memref<1x4096xf32, #tpu.memory_space<hbm>> -> memref<4096xf32, #tpu.memory_space<hbm>>
    %dma_start3A_36 = arith.constant 0 : i32
    %dma_start3A_37 = tpu.memref_slice %arg5[%add3A, %dma_start3A_36] : memref<64x16384xf32, #tpu.memory_space<hbm>> -> memref<1x4096xf32, #tpu.memory_space<hbm>>
    %dma_start3A_38 = tpu.memref_squeeze %dma_start3A_37 : memref<1x4096xf32, #tpu.memory_space<hbm>> -> memref<4096xf32, #tpu.memory_space<hbm>>
    tpu.enqueue_dma source(%arg11 : memref<4096xf32, #tpu.memory_space<vmem>>) target(%dma_start3A_38 : memref<4096xf32, #tpu.memory_space<hbm>>) target_semaphore(%arg18 : memref<!tpu.dma_semaphore, #tpu.memory_space<semaphore_mem>>)
    %dma_wait3A_39 = arith.constant 4096 : i32
    %dma_wait3A_40 = tpu.memref_slice %arg3[%dma_wait3A_39] : memref<16384xi32, #tpu.memory_space<hbm>> -> memref<4096xi32, #tpu.memory_space<hbm>>
    %dma_wait3A_41 = arith.constant 4096 : i32
    %dma_wait3A_42 = tpu.memref_slice %arg3[%dma_wait3A_41] : memref<16384xi32, #tpu.memory_space<hbm>> -> memref<4096xi32, #tpu.memory_space<hbm>>
    tpu.wait_dma2 semaphore(%arg15 : memref<!tpu.dma_semaphore, #tpu.memory_space<semaphore_mem>>) src(%dma_wait3A_42 : memref<4096xi32, #tpu.memory_space<hbm>>) dst(%arg8 : memref<4096xi32, #tpu.memory_space<vmem>>)
    %dma_start3A_43 = arith.constant 4096 : i32
    %dma_start3A_44 = tpu.memref_slice %arg4[%dma_start3A_43] : memref<16384xi32, #tpu.memory_space<hbm>> -> memref<4096xi32, #tpu.memory_space<hbm>>
    %dma_start3A_45 = arith.constant 4096 : i32
    %dma_start3A_46 = tpu.memref_slice %arg4[%dma_start3A_45] : memref<16384xi32, #tpu.memory_space<hbm>> -> memref<4096xi32, #tpu.memory_space<hbm>>
    tpu.enqueue_dma source(%dma_start3A_46 : memref<4096xi32, #tpu.memory_space<hbm>>) target(%arg8 : memref<4096xi32, #tpu.memory_space<vmem>>) target_semaphore(%arg15 : memref<!tpu.dma_semaphore, #tpu.memory_space<semaphore_mem>>)
    %parallel_loop3A_47 = arith.constant 0 : i32
    %parallel_loop3A_48 = arith.constant 256 : i32
    %parallel_loop3A_49 = arith.constant 1 : i32
    scf.for %parallel_loop3A_190 = %parallel_loop3A_47 to %parallel_loop3A_48 step %parallel_loop3A_49  : i32 {
      %parallel_loop3A_191 = arith.constant 16 : i32
      %parallel_loop3A_192 = arith.muli %parallel_loop3A_190, %parallel_loop3A_191 : i32
      %parallel_loop3A_193 = arith.index_cast %parallel_loop3A_192 : i32 to index
      %parallel_loop3A_194 = tpu.vector_load %arg8[%parallel_loop3A_193] {strides = array<i32>} : memref<4096xi32, #tpu.memory_space<vmem>>, vector<16xi32>,
      %parallel_loop3A_195 = tpu.vector_load_idx %arg6[%parallel_loop3A_194] : memref<100000xf32, #tpu.memory_space<vmem>>[vector<16xi32>], vector<16xf32>,
      %parallel_loop3A_196 = arith.constant 16 : i32
      %parallel_loop3A_197 = arith.muli %parallel_loop3A_190, %parallel_loop3A_196 : i32
      %parallel_loop3A_198 = arith.index_cast %parallel_loop3A_197 : i32 to index
      %parallel_loop3A_199 = tpu.vector_load %arg12[%parallel_loop3A_198] {strides = array<i32>} : memref<4096xf32, #tpu.memory_space<vmem>>, vector<16xf32>,
      tpu.vector_store %arg12[%parallel_loop3A_198], %parallel_loop3A_195 {strides = array<i32>} : memref<4096xf32, #tpu.memory_space<vmem>>, vector<16xf32>,
    } {sc.loop_unroll_factor = 16 : i64, sc.parallel_access}
    %dma_start3A_50 = arith.constant 4096 : i32
    %dma_start3A_51 = tpu.memref_slice %arg5[%add3A, %dma_start3A_50] : memref<64x16384xf32, #tpu.memory_space<hbm>> -> memref<1x4096xf32, #tpu.memory_space<hbm>>
    %dma_start3A_52 = tpu.memref_squeeze %dma_start3A_51 : memref<1x4096xf32, #tpu.memory_space<hbm>> -> memref<4096xf32, #tpu.memory_space<hbm>>
    %dma_start3A_53 = arith.constant 4096 : i32
    %dma_start3A_54 = tpu.memref_slice %arg5[%add3A, %dma_start3A_53] : memref<64x16384xf32, #tpu.memory_space<hbm>> -> memref<1x4096xf32, #tpu.memory_space<hbm>>
    %dma_start3A_55 = tpu.memref_squeeze %dma_start3A_54 : memref<1x4096xf32, #tpu.memory_space<hbm>> -> memref<4096xf32, #tpu.memory_space<hbm>>
    tpu.enqueue_dma source(%arg12 : memref<4096xf32, #tpu.memory_space<vmem>>) target(%dma_start3A_55 : memref<4096xf32, #tpu.memory_space<hbm>>) target_semaphore(%arg19 : memref<!tpu.dma_semaphore, #tpu.memory_space<semaphore_mem>>)
    %dma_wait3A_56 = arith.constant 8192 : i32
    %dma_wait3A_57 = tpu.memref_slice %arg3[%dma_wait3A_56] : memref<16384xi32, #tpu.memory_space<hbm>> -> memref<4096xi32, #tpu.memory_space<hbm>>
    %dma_wait3A_58 = arith.constant 8192 : i32
    %dma_wait3A_59 = tpu.memref_slice %arg3[%dma_wait3A_58] : memref<16384xi32, #tpu.memory_space<hbm>> -> memref<4096xi32, #tpu.memory_space<hbm>>
    tpu.wait_dma2 semaphore(%arg16 : memref<!tpu.dma_semaphore, #tpu.memory_space<semaphore_mem>>) src(%dma_wait3A_59 : memref<4096xi32, #tpu.memory_space<hbm>>) dst(%arg9 : memref<4096xi32, #tpu.memory_space<vmem>>)
    %dma_start3A_60 = arith.constant 8192 : i32
    %dma_start3A_61 = tpu.memref_slice %arg4[%dma_start3A_60] : memref<16384xi32, #tpu.memory_space<hbm>> -> memref<4096xi32, #tpu.memory_space<hbm>>
    %dma_start3A_62 = arith.constant 8192 : i32
    %dma_start3A_63 = tpu.memref_slice %arg4[%dma_start3A_62] : memref<16384xi32, #tpu.memory_space<hbm>> -> memref<4096xi32, #tpu.memory_space<hbm>>
    tpu.enqueue_dma source(%dma_start3A_63 : memref<4096xi32, #tpu.memory_space<hbm>>) target(%arg9 : memref<4096xi32, #tpu.memory_space<vmem>>) target_semaphore(%arg16 : memref<!tpu.dma_semaphore, #tpu.memory_space<semaphore_mem>>)
    %parallel_loop3A_64 = arith.constant 0 : i32
    %parallel_loop3A_65 = arith.constant 256 : i32
    %parallel_loop3A_66 = arith.constant 1 : i32
    scf.for %parallel_loop3A_190 = %parallel_loop3A_64 to %parallel_loop3A_65 step %parallel_loop3A_66  : i32 {
      %parallel_loop3A_191 = arith.constant 16 : i32
      %parallel_loop3A_192 = arith.muli %parallel_loop3A_190, %parallel_loop3A_191 : i32
      %parallel_loop3A_193 = arith.index_cast %parallel_loop3A_192 : i32 to index
      %parallel_loop3A_194 = tpu.vector_load %arg9[%parallel_loop3A_193] {strides = array<i32>} : memref<4096xi32, #tpu.memory_space<vmem>>, vector<16xi32>,
      %parallel_loop3A_195 = tpu.vector_load_idx %arg6[%parallel_loop3A_194] : memref<100000xf32, #tpu.memory_space<vmem>>[vector<16xi32>], vector<16xf32>,
      %parallel_loop3A_196 = arith.constant 16 : i32
      %parallel_loop3A_197 = arith.muli %parallel_loop3A_190, %parallel_loop3A_196 : i32
      %parallel_loop3A_198 = arith.index_cast %parallel_loop3A_197 : i32 to index
      %parallel_loop3A_199 = tpu.vector_load %arg13[%parallel_loop3A_198] {strides = array<i32>} : memref<4096xf32, #tpu.memory_space<vmem>>, vector<16xf32>,
      tpu.vector_store %arg13[%parallel_loop3A_198], %parallel_loop3A_195 {strides = array<i32>} : memref<4096xf32, #tpu.memory_space<vmem>>, vector<16xf32>,
    } {sc.loop_unroll_factor = 16 : i64, sc.parallel_access}
    %dma_start3A_67 = arith.constant 8192 : i32
    %dma_start3A_68 = tpu.memref_slice %arg5[%add3A, %dma_start3A_67] : memref<64x16384xf32, #tpu.memory_space<hbm>> -> memref<1x4096xf32, #tpu.memory_space<hbm>>
    %dma_start3A_69 = tpu.memref_squeeze %dma_start3A_68 : memref<1x4096xf32, #tpu.memory_space<hbm>> -> memref<4096xf32, #tpu.memory_space<hbm>>
    %dma_start3A_70 = arith.constant 8192 : i32
    %dma_start3A_71 = tpu.memref_slice %arg5[%add3A, %dma_start3A_70] : memref<64x16384xf32, #tpu.memory_space<hbm>> -> memref<1x4096xf32, #tpu.memory_space<hbm>>
    %dma_start3A_72 = tpu.memref_squeeze %dma_start3A_71 : memref<1x4096xf32, #tpu.memory_space<hbm>> -> memref<4096xf32, #tpu.memory_space<hbm>>
    tpu.enqueue_dma source(%arg13 : memref<4096xf32, #tpu.memory_space<vmem>>) target(%dma_start3A_72 : memref<4096xf32, #tpu.memory_space<hbm>>) target_semaphore(%arg20 : memref<!tpu.dma_semaphore, #tpu.memory_space<semaphore_mem>>)
    %dma_wait3A_73 = arith.constant 12288 : i32
    %dma_wait3A_74 = tpu.memref_slice %arg3[%dma_wait3A_73] : memref<16384xi32, #tpu.memory_space<hbm>> -> memref<4096xi32, #tpu.memory_space<hbm>>
    %dma_wait3A_75 = arith.constant 12288 : i32
    %dma_wait3A_76 = tpu.memref_slice %arg3[%dma_wait3A_75] : memref<16384xi32, #tpu.memory_space<hbm>> -> memref<4096xi32, #tpu.memory_space<hbm>>
    tpu.wait_dma2 semaphore(%arg17 : memref<!tpu.dma_semaphore, #tpu.memory_space<semaphore_mem>>) src(%dma_wait3A_76 : memref<4096xi32, #tpu.memory_space<hbm>>) dst(%arg10 : memref<4096xi32, #tpu.memory_space<vmem>>)
    %dma_start3A_77 = arith.constant 12288 : i32
    %dma_start3A_78 = tpu.memref_slice %arg4[%dma_start3A_77] : memref<16384xi32, #tpu.memory_space<hbm>> -> memref<4096xi32, #tpu.memory_space<hbm>>
    %dma_start3A_79 = arith.constant 12288 : i32
    %dma_start3A_80 = tpu.memref_slice %arg4[%dma_start3A_79] : memref<16384xi32, #tpu.memory_space<hbm>> -> memref<4096xi32, #tpu.memory_space<hbm>>
    tpu.enqueue_dma source(%dma_start3A_80 : memref<4096xi32, #tpu.memory_space<hbm>>) target(%arg10 : memref<4096xi32, #tpu.memory_space<vmem>>) target_semaphore(%arg17 : memref<!tpu.dma_semaphore, #tpu.memory_space<semaphore_mem>>)
    %dma_wait3A_81 = arith.constant 0 : i32
    %dma_wait3A_82 = tpu.memref_slice %arg5[%add3A, %dma_wait3A_81] : memref<64x16384xf32, #tpu.memory_space<hbm>> -> memref<1x4096xf32, #tpu.memory_space<hbm>>
    %dma_wait3A_83 = tpu.memref_squeeze %dma_wait3A_82 : memref<1x4096xf32, #tpu.memory_space<hbm>> -> memref<4096xf32, #tpu.memory_space<hbm>>
    %dma_wait3A_84 = arith.constant 0 : i32
    %dma_wait3A_85 = tpu.memref_slice %arg5[%add3A, %dma_wait3A_84] : memref<64x16384xf32, #tpu.memory_space<hbm>> -> memref<1x4096xf32, #tpu.memory_space<hbm>>
    %dma_wait3A_86 = tpu.memref_squeeze %dma_wait3A_85 : memref<1x4096xf32, #tpu.memory_space<hbm>> -> memref<4096xf32, #tpu.memory_space<hbm>>
    tpu.wait_dma2 semaphore(%arg18 : memref<!tpu.dma_semaphore, #tpu.memory_space<semaphore_mem>>) src(%arg11 : memref<4096xf32, #tpu.memory_space<vmem>>) dst(%dma_wait3A_86 : memref<4096xf32, #tpu.memory_space<hbm>>)
    %parallel_loop3A_87 = arith.constant 0 : i32
    %parallel_loop3A_88 = arith.constant 256 : i32
    %parallel_loop3A_89 = arith.constant 1 : i32
    scf.for %parallel_loop3A_190 = %parallel_loop3A_87 to %parallel_loop3A_88 step %parallel_loop3A_89  : i32 {
      %parallel_loop3A_191 = arith.constant 16 : i32
      %parallel_loop3A_192 = arith.muli %parallel_loop3A_190, %parallel_loop3A_191 : i32
      %parallel_loop3A_193 = arith.index_cast %parallel_loop3A_192 : i32 to index
      %parallel_loop3A_194 = tpu.vector_load %arg10[%parallel_loop3A_193] {strides = array<i32>} : memref<4096xi32, #tpu.memory_space<vmem>>, vector<16xi32>,
      %parallel_loop3A_195 = tpu.vector_load_idx %arg6[%parallel_loop3A_194] : memref<100000xf32, #tpu.memory_space<vmem>>[vector<16xi32>], vector<16xf32>,
      %parallel_loop3A_196 = arith.constant 16 : i32
      %parallel_loop3A_197 = arith.muli %parallel_loop3A_190, %parallel_loop3A_196 : i32
      %parallel_loop3A_198 = arith.index_cast %parallel_loop3A_197 : i32 to index
      %parallel_loop3A_199 = tpu.vector_load %arg11[%parallel_loop3A_198] {strides = array<i32>} : memref<4096xf32, #tpu.memory_space<vmem>>, vector<16xf32>,
      tpu.vector_store %arg11[%parallel_loop3A_198], %parallel_loop3A_195 {strides = array<i32>} : memref<4096xf32, #tpu.memory_space<vmem>>, vector<16xf32>,
    } {sc.loop_unroll_factor = 16 : i64, sc.parallel_access}
    %dma_start3A_90 = arith.constant 12288 : i32
    %dma_start3A_91 = tpu.memref_slice %arg5[%add3A, %dma_start3A_90] : memref<64x16384xf32, #tpu.memory_space<hbm>> -> memref<1x4096xf32, #tpu.memory_space<hbm>>
    %dma_start3A_92 = tpu.memref_squeeze %dma_start3A_91 : memref<1x4096xf32, #tpu.memory_space<hbm>> -> memref<4096xf32, #tpu.memory_space<hbm>>
    %dma_start3A_93 = arith.constant 12288 : i32
    %dma_start3A_94 = tpu.memref_slice %arg5[%add3A, %dma_start3A_93] : memref<64x16384xf32, #tpu.memory_space<hbm>> -> memref<1x4096xf32, #tpu.memory_space<hbm>>
    %dma_start3A_95 = tpu.memref_squeeze %dma_start3A_94 : memref<1x4096xf32, #tpu.memory_space<hbm>> -> memref<4096xf32, #tpu.memory_space<hbm>>
    tpu.enqueue_dma source(%arg11 : memref<4096xf32, #tpu.memory_space<vmem>>) target(%dma_start3A_95 : memref<4096xf32, #tpu.memory_space<hbm>>) target_semaphore(%arg18 : memref<!tpu.dma_semaphore, #tpu.memory_space<semaphore_mem>>)
    %dma_wait3A_96 = arith.constant 0 : i32
    %dma_wait3A_97 = tpu.memref_slice %arg4[%dma_wait3A_96] : memref<16384xi32, #tpu.memory_space<hbm>> -> memref<4096xi32, #tpu.memory_space<hbm>>
    %dma_wait3A_98 = arith.constant 0 : i32
    %dma_wait3A_99 = tpu.memref_slice %arg4[%dma_wait3A_98] : memref<16384xi32, #tpu.memory_space<hbm>> -> memref<4096xi32, #tpu.memory_space<hbm>>
    tpu.wait_dma2 semaphore(%arg14 : memref<!tpu.dma_semaphore, #tpu.memory_space<semaphore_mem>>) src(%dma_wait3A_99 : memref<4096xi32, #tpu.memory_space<hbm>>) dst(%arg7 : memref<4096xi32, #tpu.memory_space<vmem>>)
    %dma_wait3A_100 = arith.constant 4096 : i32
    %dma_wait3A_101 = tpu.memref_slice %arg5[%add3A, %dma_wait3A_100] : memref<64x16384xf32, #tpu.memory_space<hbm>> -> memref<1x4096xf32, #tpu.memory_space<hbm>>
    %dma_wait3A_102 = tpu.memref_squeeze %dma_wait3A_101 : memref<1x4096xf32, #tpu.memory_space<hbm>> -> memref<4096xf32, #tpu.memory_space<hbm>>
    %dma_wait3A_103 = arith.constant 4096 : i32
    %dma_wait3A_104 = tpu.memref_slice %arg5[%add3A, %dma_wait3A_103] : memref<64x16384xf32, #tpu.memory_space<hbm>> -> memref<1x4096xf32, #tpu.memory_space<hbm>>
    %dma_wait3A_105 = tpu.memref_squeeze %dma_wait3A_104 : memref<1x4096xf32, #tpu.memory_space<hbm>> -> memref<4096xf32, #tpu.memory_space<hbm>>
    tpu.wait_dma2 semaphore(%arg19 : memref<!tpu.dma_semaphore, #tpu.memory_space<semaphore_mem>>) src(%arg12 : memref<4096xf32, #tpu.memory_space<vmem>>) dst(%dma_wait3A_105 : memref<4096xf32, #tpu.memory_space<hbm>>)
    %parallel_loop3A_106 = arith.constant 0 : i32
    %parallel_loop3A_107 = arith.constant 256 : i32
    %parallel_loop3A_108 = arith.constant 1 : i32
    scf.for %parallel_loop3A_190 = %parallel_loop3A_106 to %parallel_loop3A_107 step %parallel_loop3A_108  : i32 {
      %parallel_loop3A_191 = arith.constant 16 : i32
      %parallel_loop3A_192 = arith.muli %parallel_loop3A_190, %parallel_loop3A_191 : i32
      %parallel_loop3A_193 = arith.index_cast %parallel_loop3A_192 : i32 to index
      %parallel_loop3A_194 = tpu.vector_load %arg7[%parallel_loop3A_193] {strides = array<i32>} : memref<4096xi32, #tpu.memory_space<vmem>>, vector<16xi32>,
      %parallel_loop3A_195 = tpu.vector_load_idx %arg6[%parallel_loop3A_194] : memref<100000xf32, #tpu.memory_space<vmem>>[vector<16xi32>], vector<16xf32>,
      %parallel_loop3A_196 = arith.constant 16 : i32
      %parallel_loop3A_197 = arith.muli %parallel_loop3A_190, %parallel_loop3A_196 : i32
      %parallel_loop3A_198 = arith.index_cast %parallel_loop3A_197 : i32 to index
      %parallel_loop3A_199 = tpu.vector_load %arg12[%parallel_loop3A_198] {strides = array<i32>} : memref<4096xf32, #tpu.memory_space<vmem>>, vector<16xf32>,
      tpu.vector_store %arg12[%parallel_loop3A_198], %parallel_loop3A_195 {strides = array<i32>} : memref<4096xf32, #tpu.memory_space<vmem>>, vector<16xf32>,
    } {sc.loop_unroll_factor = 16 : i64, sc.parallel_access}
    %dma_start3A_109 = arith.constant 0 : i32
    %dma_start3A_110 = tpu.memref_slice %arg5[%add3A_2, %dma_start3A_109] : memref<64x16384xf32, #tpu.memory_space<hbm>> -> memref<1x4096xf32, #tpu.memory_space<hbm>>
    %dma_start3A_111 = tpu.memref_squeeze %dma_start3A_110 : memref<1x4096xf32, #tpu.memory_space<hbm>> -> memref<4096xf32, #tpu.memory_space<hbm>>
    %dma_start3A_112 = arith.constant 0 : i32
    %dma_start3A_113 = tpu.memref_slice %arg5[%add3A_2, %dma_start3A_112] : memref<64x16384xf32, #tpu.memory_space<hbm>> -> memref<1x4096xf32, #tpu.memory_space<hbm>>
    %dma_start3A_114 = tpu.memref_squeeze %dma_start3A_113 : memref<1x4096xf32, #tpu.memory_space<hbm>> -> memref<4096xf32, #tpu.memory_space<hbm>>
    tpu.enqueue_dma source(%arg12 : memref<4096xf32, #tpu.memory_space<vmem>>) target(%dma_start3A_114 : memref<4096xf32, #tpu.memory_space<hbm>>) target_semaphore(%arg19 : memref<!tpu.dma_semaphore, #tpu.memory_space<semaphore_mem>>)
    %dma_wait3A_115 = arith.constant 4096 : i32
    %dma_wait3A_116 = tpu.memref_slice %arg4[%dma_wait3A_115] : memref<16384xi32, #tpu.memory_space<hbm>> -> memref<4096xi32, #tpu.memory_space<hbm>>
    %dma_wait3A_117 = arith.constant 4096 : i32
    %dma_wait3A_118 = tpu.memref_slice %arg4[%dma_wait3A_117] : memref<16384xi32, #tpu.memory_space<hbm>> -> memref<4096xi32, #tpu.memory_space<hbm>>
    tpu.wait_dma2 semaphore(%arg15 : memref<!tpu.dma_semaphore, #tpu.memory_space<semaphore_mem>>) src(%dma_wait3A_118 : memref<4096xi32, #tpu.memory_space<hbm>>) dst(%arg8 : memref<4096xi32, #tpu.memory_space<vmem>>)
    %dma_wait3A_119 = arith.constant 8192 : i32
    %dma_wait3A_120 = tpu.memref_slice %arg5[%add3A, %dma_wait3A_119] : memref<64x16384xf32, #tpu.memory_space<hbm>> -> memref<1x4096xf32, #tpu.memory_space<hbm>>
    %dma_wait3A_121 = tpu.memref_squeeze %dma_wait3A_120 : memref<1x4096xf32, #tpu.memory_space<hbm>> -> memref<4096xf32, #tpu.memory_space<hbm>>
    %dma_wait3A_122 = arith.constant 8192 : i32
    %dma_wait3A_123 = tpu.memref_slice %arg5[%add3A, %dma_wait3A_122] : memref<64x16384xf32, #tpu.memory_space<hbm>> -> memref<1x4096xf32, #tpu.memory_space<hbm>>
    %dma_wait3A_124 = tpu.memref_squeeze %dma_wait3A_123 : memref<1x4096xf32, #tpu.memory_space<hbm>> -> memref<4096xf32, #tpu.memory_space<hbm>>
    tpu.wait_dma2 semaphore(%arg20 : memref<!tpu.dma_semaphore, #tpu.memory_space<semaphore_mem>>) src(%arg13 : memref<4096xf32, #tpu.memory_space<vmem>>) dst(%dma_wait3A_124 : memref<4096xf32, #tpu.memory_space<hbm>>)
    %parallel_loop3A_125 = arith.constant 0 : i32
    %parallel_loop3A_126 = arith.constant 256 : i32
    %parallel_loop3A_127 = arith.constant 1 : i32
    scf.for %parallel_loop3A_190 = %parallel_loop3A_125 to %parallel_loop3A_126 step %parallel_loop3A_127  : i32 {
      %parallel_loop3A_191 = arith.constant 16 : i32
      %parallel_loop3A_192 = arith.muli %parallel_loop3A_190, %parallel_loop3A_191 : i32
      %parallel_loop3A_193 = arith.index_cast %parallel_loop3A_192 : i32 to index
      %parallel_loop3A_194 = tpu.vector_load %arg8[%parallel_loop3A_193] {strides = array<i32>} : memref<4096xi32, #tpu.memory_space<vmem>>, vector<16xi32>,
      %parallel_loop3A_195 = tpu.vector_load_idx %arg6[%parallel_loop3A_194] : memref<100000xf32, #tpu.memory_space<vmem>>[vector<16xi32>], vector<16xf32>,
      %parallel_loop3A_196 = arith.constant 16 : i32
      %parallel_loop3A_197 = arith.muli %parallel_loop3A_190, %parallel_loop3A_196 : i32
      %parallel_loop3A_198 = arith.index_cast %parallel_loop3A_197 : i32 to index
      %parallel_loop3A_199 = tpu.vector_load %arg13[%parallel_loop3A_198] {strides = array<i32>} : memref<4096xf32, #tpu.memory_space<vmem>>, vector<16xf32>,
      tpu.vector_store %arg13[%parallel_loop3A_198], %parallel_loop3A_195 {strides = array<i32>} : memref<4096xf32, #tpu.memory_space<vmem>>, vector<16xf32>,
    } {sc.loop_unroll_factor = 16 : i64, sc.parallel_access}
    %dma_start3A_128 = arith.constant 4096 : i32
    %dma_start3A_129 = tpu.memref_slice %arg5[%add3A_4, %dma_start3A_128] : memref<64x16384xf32, #tpu.memory_space<hbm>> -> memref<1x4096xf32, #tpu.memory_space<hbm>>
    %dma_start3A_130 = tpu.memref_squeeze %dma_start3A_129 : memref<1x4096xf32, #tpu.memory_space<hbm>> -> memref<4096xf32, #tpu.memory_space<hbm>>
    %dma_start3A_131 = arith.constant 4096 : i32
    %dma_start3A_132 = tpu.memref_slice %arg5[%add3A_4, %dma_start3A_131] : memref<64x16384xf32, #tpu.memory_space<hbm>> -> memref<1x4096xf32, #tpu.memory_space<hbm>>
    %dma_start3A_133 = tpu.memref_squeeze %dma_start3A_132 : memref<1x4096xf32, #tpu.memory_space<hbm>> -> memref<4096xf32, #tpu.memory_space<hbm>>
    tpu.enqueue_dma source(%arg13 : memref<4096xf32, #tpu.memory_space<vmem>>) target(%dma_start3A_133 : memref<4096xf32, #tpu.memory_space<hbm>>) target_semaphore(%arg20 : memref<!tpu.dma_semaphore, #tpu.memory_space<semaphore_mem>>)
    %dma_wait3A_134 = arith.constant 8192 : i32
    %dma_wait3A_135 = tpu.memref_slice %arg4[%dma_wait3A_134] : memref<16384xi32, #tpu.memory_space<hbm>> -> memref<4096xi32, #tpu.memory_space<hbm>>
    %dma_wait3A_136 = arith.constant 8192 : i32
    %dma_wait3A_137 = tpu.memref_slice %arg4[%dma_wait3A_136] : memref<16384xi32, #tpu.memory_space<hbm>> -> memref<4096xi32, #tpu.memory_space<hbm>>
    tpu.wait_dma2 semaphore(%arg16 : memref<!tpu.dma_semaphore, #tpu.memory_space<semaphore_mem>>) src(%dma_wait3A_137 : memref<4096xi32, #tpu.memory_space<hbm>>) dst(%arg9 : memref<4096xi32, #tpu.memory_space<vmem>>)
    %dma_wait3A_138 = arith.constant 12288 : i32
    %dma_wait3A_139 = tpu.memref_slice %arg5[%add3A, %dma_wait3A_138] : memref<64x16384xf32, #tpu.memory_space<hbm>> -> memref<1x4096xf32, #tpu.memory_space<hbm>>
    %dma_wait3A_140 = tpu.memref_squeeze %dma_wait3A_139 : memref<1x4096xf32, #tpu.memory_space<hbm>> -> memref<4096xf32, #tpu.memory_space<hbm>>
    %dma_wait3A_141 = arith.constant 12288 : i32
    %dma_wait3A_142 = tpu.memref_slice %arg5[%add3A, %dma_wait3A_141] : memref<64x16384xf32, #tpu.memory_space<hbm>> -> memref<1x4096xf32, #tpu.memory_space<hbm>>
    %dma_wait3A_143 = tpu.memref_squeeze %dma_wait3A_142 : memref<1x4096xf32, #tpu.memory_space<hbm>> -> memref<4096xf32, #tpu.memory_space<hbm>>
    tpu.wait_dma2 semaphore(%arg18 : memref<!tpu.dma_semaphore, #tpu.memory_space<semaphore_mem>>) src(%arg11 : memref<4096xf32, #tpu.memory_space<vmem>>) dst(%dma_wait3A_143 : memref<4096xf32, #tpu.memory_space<hbm>>)
    %parallel_loop3A_144 = arith.constant 0 : i32
    %parallel_loop3A_145 = arith.constant 256 : i32
    %parallel_loop3A_146 = arith.constant 1 : i32
    scf.for %parallel_loop3A_190 = %parallel_loop3A_144 to %parallel_loop3A_145 step %parallel_loop3A_146  : i32 {
      %parallel_loop3A_191 = arith.constant 16 : i32
      %parallel_loop3A_192 = arith.muli %parallel_loop3A_190, %parallel_loop3A_191 : i32
      %parallel_loop3A_193 = arith.index_cast %parallel_loop3A_192 : i32 to index
      %parallel_loop3A_194 = tpu.vector_load %arg9[%parallel_loop3A_193] {strides = array<i32>} : memref<4096xi32, #tpu.memory_space<vmem>>, vector<16xi32>,
      %parallel_loop3A_195 = tpu.vector_load_idx %arg6[%parallel_loop3A_194] : memref<100000xf32, #tpu.memory_space<vmem>>[vector<16xi32>], vector<16xf32>,
      %parallel_loop3A_196 = arith.constant 16 : i32
      %parallel_loop3A_197 = arith.muli %parallel_loop3A_190, %parallel_loop3A_196 : i32
      %parallel_loop3A_198 = arith.index_cast %parallel_loop3A_197 : i32 to index
      %parallel_loop3A_199 = tpu.vector_load %arg11[%parallel_loop3A_198] {strides = array<i32>} : memref<4096xf32, #tpu.memory_space<vmem>>, vector<16xf32>,
      tpu.vector_store %arg11[%parallel_loop3A_198], %parallel_loop3A_195 {strides = array<i32>} : memref<4096xf32, #tpu.memory_space<vmem>>, vector<16xf32>,
    } {sc.loop_unroll_factor = 16 : i64, sc.parallel_access}
    %dma_start3A_147 = arith.constant 8192 : i32
    %dma_start3A_148 = tpu.memref_slice %arg5[%add3A_6, %dma_start3A_147] : memref<64x16384xf32, #tpu.memory_space<hbm>> -> memref<1x4096xf32, #tpu.memory_space<hbm>>
    %dma_start3A_149 = tpu.memref_squeeze %dma_start3A_148 : memref<1x4096xf32, #tpu.memory_space<hbm>> -> memref<4096xf32, #tpu.memory_space<hbm>>
    %dma_start3A_150 = arith.constant 8192 : i32
    %dma_start3A_151 = tpu.memref_slice %arg5[%add3A_6, %dma_start3A_150] : memref<64x16384xf32, #tpu.memory_space<hbm>> -> memref<1x4096xf32, #tpu.memory_space<hbm>>
    %dma_start3A_152 = tpu.memref_squeeze %dma_start3A_151 : memref<1x4096xf32, #tpu.memory_space<hbm>> -> memref<4096xf32, #tpu.memory_space<hbm>>
    tpu.enqueue_dma source(%arg11 : memref<4096xf32, #tpu.memory_space<vmem>>) target(%dma_start3A_152 : memref<4096xf32, #tpu.memory_space<hbm>>) target_semaphore(%arg18 : memref<!tpu.dma_semaphore, #tpu.memory_space<semaphore_mem>>)
    %dma_wait3A_153 = arith.constant 12288 : i32
    %dma_wait3A_154 = tpu.memref_slice %arg4[%dma_wait3A_153] : memref<16384xi32, #tpu.memory_space<hbm>> -> memref<4096xi32, #tpu.memory_space<hbm>>
    %dma_wait3A_155 = arith.constant 12288 : i32
    %dma_wait3A_156 = tpu.memref_slice %arg4[%dma_wait3A_155] : memref<16384xi32, #tpu.memory_space<hbm>> -> memref<4096xi32, #tpu.memory_space<hbm>>
    tpu.wait_dma2 semaphore(%arg17 : memref<!tpu.dma_semaphore, #tpu.memory_space<semaphore_mem>>) src(%dma_wait3A_156 : memref<4096xi32, #tpu.memory_space<hbm>>) dst(%arg10 : memref<4096xi32, #tpu.memory_space<vmem>>)
    %dma_wait3A_157 = arith.constant 0 : i32
    %dma_wait3A_158 = tpu.memref_slice %arg5[%add3A_2, %dma_wait3A_157] : memref<64x16384xf32, #tpu.memory_space<hbm>> -> memref<1x4096xf32, #tpu.memory_space<hbm>>
    %dma_wait3A_159 = tpu.memref_squeeze %dma_wait3A_158 : memref<1x4096xf32, #tpu.memory_space<hbm>> -> memref<4096xf32, #tpu.memory_space<hbm>>
    %dma_wait3A_160 = arith.constant 0 : i32
    %dma_wait3A_161 = tpu.memref_slice %arg5[%add3A_2, %dma_wait3A_160] : memref<64x16384xf32, #tpu.memory_space<hbm>> -> memref<1x4096xf32, #tpu.memory_space<hbm>>
    %dma_wait3A_162 = tpu.memref_squeeze %dma_wait3A_161 : memref<1x4096xf32, #tpu.memory_space<hbm>> -> memref<4096xf32, #tpu.memory_space<hbm>>
    tpu.wait_dma2 semaphore(%arg19 : memref<!tpu.dma_semaphore, #tpu.memory_space<semaphore_mem>>) src(%arg12 : memref<4096xf32, #tpu.memory_space<vmem>>) dst(%dma_wait3A_162 : memref<4096xf32, #tpu.memory_space<hbm>>)
    %parallel_loop3A_163 = arith.constant 0 : i32
    %parallel_loop3A_164 = arith.constant 256 : i32
    %parallel_loop3A_165 = arith.constant 1 : i32
    scf.for %parallel_loop3A_190 = %parallel_loop3A_163 to %parallel_loop3A_164 step %parallel_loop3A_165  : i32 {
      %parallel_loop3A_191 = arith.constant 16 : i32
      %parallel_loop3A_192 = arith.muli %parallel_loop3A_190, %parallel_loop3A_191 : i32
      %parallel_loop3A_193 = arith.index_cast %parallel_loop3A_192 : i32 to index
      %parallel_loop3A_194 = tpu.vector_load %arg10[%parallel_loop3A_193] {strides = array<i32>} : memref<4096xi32, #tpu.memory_space<vmem>>, vector<16xi32>,
      %parallel_loop3A_195 = tpu.vector_load_idx %arg6[%parallel_loop3A_194] : memref<100000xf32, #tpu.memory_space<vmem>>[vector<16xi32>], vector<16xf32>,
      %parallel_loop3A_196 = arith.constant 16 : i32
      %parallel_loop3A_197 = arith.muli %parallel_loop3A_190, %parallel_loop3A_196 : i32
      %parallel_loop3A_198 = arith.index_cast %parallel_loop3A_197 : i32 to index
      %parallel_loop3A_199 = tpu.vector_load %arg12[%parallel_loop3A_198] {strides = array<i32>} : memref<4096xf32, #tpu.memory_space<vmem>>, vector<16xf32>,
      tpu.vector_store %arg12[%parallel_loop3A_198], %parallel_loop3A_195 {strides = array<i32>} : memref<4096xf32, #tpu.memory_space<vmem>>, vector<16xf32>,
    } {sc.loop_unroll_factor = 16 : i64, sc.parallel_access}
    %dma_start3A_166 = arith.constant 12288 : i32
    %dma_start3A_167 = tpu.memref_slice %arg5[%add3A_8, %dma_start3A_166] : memref<64x16384xf32, #tpu.memory_space<hbm>> -> memref<1x4096xf32, #tpu.memory_space<hbm>>
    %dma_start3A_168 = tpu.memref_squeeze %dma_start3A_167 : memref<1x4096xf32, #tpu.memory_space<hbm>> -> memref<4096xf32, #tpu.memory_space<hbm>>
    %dma_start3A_169 = arith.constant 12288 : i32
    %dma_start3A_170 = tpu.memref_slice %arg5[%add3A_8, %dma_start3A_169] : memref<64x16384xf32, #tpu.memory_space<hbm>> -> memref<1x4096xf32, #tpu.memory_space<hbm>>
    %dma_start3A_171 = tpu.memref_squeeze %dma_start3A_170 : memref<1x4096xf32, #tpu.memory_space<hbm>> -> memref<4096xf32, #tpu.memory_space<hbm>>
    tpu.enqueue_dma source(%arg12 : memref<4096xf32, #tpu.memory_space<vmem>>) target(%dma_start3A_171 : memref<4096xf32, #tpu.memory_space<hbm>>) target_semaphore(%arg19 : memref<!tpu.dma_semaphore, #tpu.memory_space<semaphore_mem>>)
    %dma_wait3A_172 = arith.constant 4096 : i32
    %dma_wait3A_173 = tpu.memref_slice %arg5[%add3A_4, %dma_wait3A_172] : memref<64x16384xf32, #tpu.memory_space<hbm>> -> memref<1x4096xf32, #tpu.memory_space<hbm>>
    %dma_wait3A_174 = tpu.memref_squeeze %dma_wait3A_173 : memref<1x4096xf32, #tpu.memory_space<hbm>> -> memref<4096xf32, #tpu.memory_space<hbm>>
    %dma_wait3A_175 = arith.constant 4096 : i32
    %dma_wait3A_176 = tpu.memref_slice %arg5[%add3A_4, %dma_wait3A_175] : memref<64x16384xf32, #tpu.memory_space<hbm>> -> memref<1x4096xf32, #tpu.memory_space<hbm>>
    %dma_wait3A_177 = tpu.memref_squeeze %dma_wait3A_176 : memref<1x4096xf32, #tpu.memory_space<hbm>> -> memref<4096xf32, #tpu.memory_space<hbm>>
    tpu.wait_dma2 semaphore(%arg20 : memref<!tpu.dma_semaphore, #tpu.memory_space<semaphore_mem>>) src(%arg13 : memref<4096xf32, #tpu.memory_space<vmem>>) dst(%dma_wait3A_177 : memref<4096xf32, #tpu.memory_space<hbm>>)
    %dma_wait3A_178 = arith.constant 8192 : i32
    %dma_wait3A_179 = tpu.memref_slice %arg5[%add3A_6, %dma_wait3A_178] : memref<64x16384xf32, #tpu.memory_space<hbm>> -> memref<1x4096xf32, #tpu.memory_space<hbm>>
    %dma_wait3A_180 = tpu.memref_squeeze %dma_wait3A_179 : memref<1x4096xf32, #tpu.memory_space<hbm>> -> memref<4096xf32, #tpu.memory_space<hbm>>
    %dma_wait3A_181 = arith.constant 8192 : i32
    %dma_wait3A_182 = tpu.memref_slice %arg5[%add3A_6, %dma_wait3A_181] : memref<64x16384xf32, #tpu.memory_space<hbm>> -> memref<1x4096xf32, #tpu.memory_space<hbm>>
    %dma_wait3A_183 = tpu.memref_squeeze %dma_wait3A_182 : memref<1x4096xf32, #tpu.memory_space<hbm>> -> memref<4096xf32, #tpu.memory_space<hbm>>
    tpu.wait_dma2 semaphore(%arg18 : memref<!tpu.dma_semaphore, #tpu.memory_space<semaphore_mem>>) src(%arg11 : memref<4096xf32, #tpu.memory_space<vmem>>) dst(%dma_wait3A_183 : memref<4096xf32, #tpu.memory_space<hbm>>)
    %dma_wait3A_184 = arith.constant 12288 : i32
    %dma_wait3A_185 = tpu.memref_slice %arg5[%add3A_8, %dma_wait3A_184] : memref<64x16384xf32, #tpu.memory_space<hbm>> -> memref<1x4096xf32, #tpu.memory_space<hbm>>
    %dma_wait3A_186 = tpu.memref_squeeze %dma_wait3A_185 : memref<1x4096xf32, #tpu.memory_space<hbm>> -> memref<4096xf32, #tpu.memory_space<hbm>>
    %dma_wait3A_187 = arith.constant 12288 : i32
    %dma_wait3A_188 = tpu.memref_slice %arg5[%add3A_8, %dma_wait3A_187] : memref<64x16384xf32, #tpu.memory_space<hbm>> -> memref<1x4096xf32, #tpu.memory_space<hbm>>
    %dma_wait3A_189 = tpu.memref_squeeze %dma_wait3A_188 : memref<1x4096xf32, #tpu.memory_space<hbm>> -> memref<4096xf32, #tpu.memory_space<hbm>>
    tpu.wait_dma2 semaphore(%arg19 : memref<!tpu.dma_semaphore, #tpu.memory_space<semaphore_mem>>) src(%arg12 : memref<4096xf32, #tpu.memory_space<vmem>>) dst(%dma_wait3A_189 : memref<4096xf32, #tpu.memory_space<hbm>>)
    return
  }
}

module attributes {stable_mosaic.version = 14 : i64} {
  func.func @body(%arg0: i32, %arg1: memref<64x8192xf32, #tpu.memory_space<vmem>>, %arg2: memref<128x64xf32, #tpu.memory_space<vmem>>, %arg3: memref<128x1xf32, #tpu.memory_space<vmem>>, %arg4: memref<64x128xf32, #tpu.memory_space<vmem>>, %arg5: memref<64x1xf32, #tpu.memory_space<vmem>>, %arg6: memref<1x64xf32, #tpu.memory_space<vmem>>, %arg7: memref<1x1xf32, #tpu.memory_space<vmem>>, %arg8: memref<1x8192xf32, #tpu.memory_space<vmem>>) attributes {dimension_semantics = [#tpu.dimension_semantics<arbitrary>], iteration_bounds = array<i64: 2>, scalar_prefetch = 0 : i64, scratch_operands = 0 : i64, tpu.core_type = #tpu.core_type<tc>, window_params = [{transform_indices = @transform_0, window_bounds = array<i64: 64, 8192>}, {pipeline_mode = #tpu.pipeline_mode<synchronous>, transform_indices = @transform_1, window_bounds = array<i64: 128, 64>}, {pipeline_mode = #tpu.pipeline_mode<synchronous>, transform_indices = @transform_2, window_bounds = array<i64: 128, 1>}, {pipeline_mode = #tpu.pipeline_mode<synchronous>, transform_indices = @transform_3, window_bounds = array<i64: 64, 128>}, {pipeline_mode = #tpu.pipeline_mode<synchronous>, transform_indices = @transform_4, window_bounds = array<i64: 64, 1>}, {pipeline_mode = #tpu.pipeline_mode<synchronous>, transform_indices = @transform_5, window_bounds = array<i64: 1, 64>}, {pipeline_mode = #tpu.pipeline_mode<synchronous>, transform_indices = @transform_6, window_bounds = array<i64: 1, 1>}, {transform_indices = @transform_7, window_bounds = array<i64: 1, 8192>}]} {
    %get3A = arith.constant 0 : index
    %get3A_0 = arith.constant 0 : index
    %get3A_1 = vector.load %arg2[%get3A, %get3A_0] : memref<128x64xf32, #tpu.memory_space<vmem>>, vector<128x64xf32>
    %get3A_2 = arith.constant 0 : index
    %get3A_3 = arith.constant 0 : index
    %get3A_4 = vector.load %arg1[%get3A_2, %get3A_3] : memref<64x8192xf32, #tpu.memory_space<vmem>>, vector<64x8192xf32>
    %dot_general3A = arith.constant dense<0.000000e+00> : vector<128x8192xf32>
    %dot_general3A_5 = tpu.matmul %get3A_1, %get3A_4, %dot_general3A {dimension_numbers = #tpu.dot_dimension_numbers<[1], [0], [0], [1], [0, 0, 1, 1], [], []>, transpose_lhs_hint = false} : vector<128x64xf32>, vector<64x8192xf32>, vector<128x8192xf32> -> vector<128x8192xf32>
    %get3A_6 = arith.constant 0 : index
    %get3A_7 = arith.constant 0 : index
    %get3A_8 = vector.load %arg3[%get3A_6, %get3A_7] : memref<128x1xf32, #tpu.memory_space<vmem>>, vector<128x1xf32>
    %add3A = vector.broadcast %get3A_8 : vector<128x1xf32> to vector<128x8192xf32>
    %add3A_9 = arith.addf %dot_general3A_5, %add3A : vector<128x8192xf32>
    %max3A = arith.constant 0.000000e+00 : f32
    %max3A_10 = vector.broadcast %max3A : f32 to vector<128x8192xf32>
    %max3A_11 = arith.maximumf %add3A_9, %max3A_10 : vector<128x8192xf32>
    %get3A_12 = arith.constant 0 : index
    %get3A_13 = arith.constant 0 : index
    %get3A_14 = vector.load %arg4[%get3A_12, %get3A_13] : memref<64x128xf32, #tpu.memory_space<vmem>>, vector<64x128xf32>
    %dot_general3A_15 = arith.constant dense<0.000000e+00> : vector<64x8192xf32>
    %dot_general3A_16 = tpu.matmul %get3A_14, %max3A_11, %dot_general3A_15 {dimension_numbers = #tpu.dot_dimension_numbers<[1], [0], [0], [1], [0, 0, 1, 1], [], []>, transpose_lhs_hint = false} : vector<64x128xf32>, vector<128x8192xf32>, vector<64x8192xf32> -> vector<64x8192xf32>
    %get3A_17 = arith.constant 0 : index
    %get3A_18 = arith.constant 0 : index
    %get3A_19 = vector.load %arg5[%get3A_17, %get3A_18] : memref<64x1xf32, #tpu.memory_space<vmem>>, vector<64x1xf32>
    %add3A_20 = vector.broadcast %get3A_19 : vector<64x1xf32> to vector<64x8192xf32>
    %add3A_21 = arith.addf %dot_general3A_16, %add3A_20 : vector<64x8192xf32>
    %max3A_22 = arith.constant 0.000000e+00 : f32
    %max3A_23 = vector.broadcast %max3A_22 : f32 to vector<64x8192xf32>
    %max3A_24 = arith.maximumf %add3A_21, %max3A_23 : vector<64x8192xf32>
    %get3A_25 = arith.constant 0 : index
    %get3A_26 = arith.constant 0 : index
    %get3A_27 = vector.load %arg6[%get3A_25, %get3A_26] : memref<1x64xf32, #tpu.memory_space<vmem>>, vector<1x64xf32>
    %dot_general3A_28 = arith.constant dense<0.000000e+00> : vector<1x8192xf32>
    %dot_general3A_29 = tpu.matmul %get3A_27, %max3A_24, %dot_general3A_28 {dimension_numbers = #tpu.dot_dimension_numbers<[1], [0], [0], [1], [0, 0, 1, 1], [], []>, transpose_lhs_hint = false} : vector<1x64xf32>, vector<64x8192xf32>, vector<1x8192xf32> -> vector<1x8192xf32>
    %get3A_30 = arith.constant 0 : index
    %get3A_31 = arith.constant 0 : index
    %get3A_32 = vector.load %arg7[%get3A_30, %get3A_31] : memref<1x1xf32, #tpu.memory_space<vmem>>, vector<1x1xf32>
    %add3A_33 = vector.broadcast %get3A_32 : vector<1x1xf32> to vector<1x8192xf32>
    %add3A_34 = arith.addf %dot_general3A_29, %add3A_33 : vector<1x8192xf32>
    %swap3A = arith.constant 0 : index
    %swap3A_35 = arith.constant 0 : index
    %swap3A_36 = vector.load %arg8[%swap3A, %swap3A_35] : memref<1x8192xf32, #tpu.memory_space<vmem>>, vector<1x8192xf32>
    tpu.vector_store %arg8[%swap3A, %swap3A_35], %add3A_34 {strides = array<i32>} : memref<1x8192xf32, #tpu.memory_space<vmem>>, vector<1x8192xf32>,
    return
  }
  func.func @transform_0(%arg0: i32) -> (i32, i32) {
    %c0_i32 = arith.constant 0 : i32
    %c0_i32_0 = arith.constant 0 : i32
    return %c0_i32, %arg0 : i32, i32
  }
  func.func @transform_1(%arg0: i32) -> (i32, i32) {
    %c0_i32 = arith.constant 0 : i32
    %c0_i32_0 = arith.constant 0 : i32
    %c0_i32_1 = arith.constant 0 : i32
    return %c0_i32, %c0_i32_0 : i32, i32
  }
  func.func @transform_2(%arg0: i32) -> (i32, i32) {
    %c0_i32 = arith.constant 0 : i32
    %c0_i32_0 = arith.constant 0 : i32
    %c0_i32_1 = arith.constant 0 : i32
    return %c0_i32, %c0_i32_0 : i32, i32
  }
  func.func @transform_3(%arg0: i32) -> (i32, i32) {
    %c0_i32 = arith.constant 0 : i32
    %c0_i32_0 = arith.constant 0 : i32
    %c0_i32_1 = arith.constant 0 : i32
    return %c0_i32, %c0_i32_0 : i32, i32
  }
  func.func @transform_4(%arg0: i32) -> (i32, i32) {
    %c0_i32 = arith.constant 0 : i32
    %c0_i32_0 = arith.constant 0 : i32
    %c0_i32_1 = arith.constant 0 : i32
    return %c0_i32, %c0_i32_0 : i32, i32
  }
  func.func @transform_5(%arg0: i32) -> (i32, i32) {
    %c0_i32 = arith.constant 0 : i32
    %c0_i32_0 = arith.constant 0 : i32
    %c0_i32_1 = arith.constant 0 : i32
    return %c0_i32, %c0_i32_0 : i32, i32
  }
  func.func @transform_6(%arg0: i32) -> (i32, i32) {
    %c0_i32 = arith.constant 0 : i32
    %c0_i32_0 = arith.constant 0 : i32
    %c0_i32_1 = arith.constant 0 : i32
    return %c0_i32, %c0_i32_0 : i32, i32
  }
  func.func @transform_7(%arg0: i32) -> (i32, i32) {
    %c0_i32 = arith.constant 0 : i32
    %c0_i32_0 = arith.constant 0 : i32
    return %c0_i32, %arg0 : i32, i32
  }
}

</mosaic_0001>

<sc_bundles>
// kernel: kernel.4.cloned.1.call-start
scs
__scs_entry_jumppad:
0x0: {  	(pc) =	sbr.rel $0x88, $3  }
0x1: {  	(tag) =	ssettag $0x0;
	lr =	simm.s32 $0x1  }
0x2: {  	[smem:$0x3F98] =	sst lr;
	_ =	strace $0xD0000000  }
0x3: {  	_ = 	snop  }
0x4: {  	_ = 	snop  }
0x5: {  	_ = 	snop  }
0x6: {  	_ = 	snop  }
0x7: {  	_ = 	snop  }
__scs_overlays_trampoline_lowered:
0x8: {  	[smem:$0x3FA7] =	sst s0  }
0x9: {  	[smem:$0x3FA8] =	sst s1  }
0xa: {  	[smem:$0x3FA9] =	sst s2  }
0xb: {  	[smem:$0x3FAA] =	sst s3  }
0xc: {  	[smem:$0x3FAB] =	sst s4  }
0xd: {  	[smem:$0x3FAC] =	sst s5  }
0xe: {  	[smem:$0x3FAD] =	sst s6  }
0xf: {  	[smem:$0x3FAE] =	sst s7  }
0x10: {  	[smem:$0x3FAF] =	sst s8  }
0x11: {  	[smem:$0x3FB0] =	sst s9;
	s0 =	simm.s32 @!p0 $0x0  }
0x12: {  	s1 =	sld [smem:$0x3F96];
	s0 =	simm.s32 @p0 $0x1  }
0x13: {  	[smem:$0x3FB1] =	sst s0;
	s0 =	simm.s32 @!p1 $0x0  }
0x14: {  	s2 =	sld [smem:$0x3F95];
	s0 =	simm.s32 @p1 $0x1  }
0x15: {  	[smem:$0x3FB2] =	sst s0;
	s0 =	simm.s32 @!p2 $0x0  }
0x16: {  	s3 =	sld [smem:$0x3FDB];
	s0 =	simm.s32 @p2 $0x1  }
0x17: {  	s4 =	simm.s32 $0x1BF5;
	[smem:$0x3FB4] =	sst s0  }
0x18: {  	s0 =	sld [smem:$0x3F97];
	_ =	swait.ge [sflag:s4], $0x0  }
0x19: {  	s7 =	sld [smem:$0x3F98]  }
0x1a: {  	s8 =	sadd.s32 $0xFFFFE003, lr  }
0x1b: {  	s9 =	sadd.s32 $0xFFFFFEF7, lr;
	s5 =	simm.s32 $0xFFFFFFFF;
	p2 =	slt.u32 s8, $0xFFFFF086  }
0x1c: {  	p1 =	slt.u32 s9, $0xF7A;
	s5 =	simm.s32 @!p2 $0x0  }
0x1d: {  	s5 =	simm.s32 @p1 $0x1;
	p0 =	seq.s32 s7, s2  }
0x1e: {  	s7 =	smul.u32 @!p0 $0xF7A, s2;
	p2 =	seq.s32 @!p0 s5, $0x0  }
0x1f: {  	s9 =	smul.u32 $0xF7A, s1;
	s8 =	simm.s32 @!p0 $0x1BF5;
	p2 =	por !p2, p0  }
0x20: {  	[sflag:s8] =	ssyncset.s32 @!p0 $0xFFFFF086;
	s6 =	sadd.s32 @!p0 s3, s7;
	s7 =	simm.s32 @!p0 $0x108  }
0x21: {  	s3 =	sadd.s32 s3, s9;
	s6 =	sadd.s32 @!p0 $0x88, s6;
	s7 =	simm.s32 @p2 $0x1082  }
0x22: {  	[simem:s7], [sflag:s8] =	dma.local @!p0 [hbm:s6], $0xF7A  }
0x23: {  	s9 =	sor.u32 $0xD0000000, s2;
	s6 =	simm.s32 $0x108;
	_ =	swait.ge @!p0 [sflag:s8], $0x0  }
0x24: {  	s3 =	sadd.s32 $0x88, s3;
	s6 =	simm.s32 @!p1 $0x1082;
	[sflag:s4] =	ssyncset.s32 $0xFFFFF086  }
0x25: {  	[simem:s6], [sflag:s4] =	dma.local [hbm:s3], $0xF7A  }
0x26: {  	[smem:$0x3F98] =	sst s1;
	(tag) =	ssettag s2;
	_ =	strace s9  }
0x27: {  	s1 =	sld [smem:$0x3FA8]  }
0x28: {  	s2 =	sld [smem:$0x3FA9]  }
0x29: {  	s4 =	sld [smem:$0x3FAB]  }
0x2a: {  	p0 =	seq.s32 s5, $0x0;
	s5 =	sld [smem:$0x3FAC]  }
0x2b: {  	s6 =	sld [smem:$0x3FAD]  }
0x2c: {  	s7 =	sld [smem:$0x3FAE]  }
0x2d: {  	s3 =	simm.s32 $0x108;
	s8 =	sld [smem:$0x3FAF]  }
0x2e: {  	s3 =	simm.s32 @!p0 $0x1082;
	s9 =	sld [smem:$0x3FB0]  }
0x2f: {  	lr =	sadd.s32 s0, s3;
	s0 =	sld [smem:$0x3FA7]  }
0x30: {  	s3 =	sld [smem:$0x3FAA]  }
0x31: {  	[smem:$0x3FB3] =	sst s10  }
0x32: {  	s10 =	sld [smem:$0x3FB1];
	_ =	sdelay $0x3  }
0x33: {  	p0 =	seq.s32 s10, $0x1;
	s10 =	sld [smem:$0x3FB3];
	_ =	sdelay $0x3  }
0x34: {  	[smem:$0x3FB3] =	sst s10  }
0x35: {  	s10 =	sld [smem:$0x3FB2];
	_ =	sdelay $0x3  }
0x36: {  	p1 =	seq.s32 s10, $0x1;
	s10 =	sld [smem:$0x3FB3];
	_ =	sdelay $0x3  }
0x37: {  	[smem:$0x3FB3] =	sst s10  }
0x38: {  	s10 =	sld [smem:$0x3FB4]  }
0x39: {  	_ = 	snop;
	(pc) =	sbr.ind lr, $3  }
0x3a: {  	_ = 	snop  }
0x3b: {  	_ = 	snop  }
0x3c: {  	p2 =	seq.s32 s10, $0x1;
	s10 =	sld [smem:$0x3FB3]  }
0x3d: {  	_ =	shalt  }
0x3e: {  	_ =	shalt  }
0x3f: {  	_ =	shalt  }
0x40: {  	_ =	shalt  }
0x41: {  	_ =	shalt  }
0x42: {  	_ =	shalt  }
0x43: {  	_ =	shalt  }
0x44: {  	_ =	shalt  }
0x45: {  	_ =	shalt  }
0x46: {  	_ =	shalt  }
0x47: {  	_ =	shalt  }
0x48: {  	_ =	shalt  }
0x49: {  	_ =	shalt  }
0x4a: {  	_ =	shalt  }
0x4b: {  	_ =	shalt  }
0x4c: {  	_ =	shalt  }
0x4d: {  	_ =	shalt  }
0x4e: {  	_ =	shalt  }
0x4f: {  	_ =	shalt  }
0x50: {  	_ =	shalt  }
0x51: {  	_ =	shalt  }
0x52: {  	_ =	shalt  }
0x53: {  	_ =	shalt  }
0x54: {  	_ =	shalt  }
0x55: {  	_ =	shalt  }
0x56: {  	_ =	shalt  }
0x57: {  	_ =	shalt  }
0x58: {  	_ =	shalt  }
0x59: {  	_ =	shalt  }
0x5a: {  	_ =	shalt  }
0x5b: {  	_ =	shalt  }
0x5c: {  	_ =	shalt  }
0x5d: {  	_ =	shalt  }
0x5e: {  	_ =	shalt  }
0x5f: {  	_ =	shalt  }
0x60: {  	_ =	shalt  }
0x61: {  	_ =	shalt  }
0x62: {  	_ =	shalt  }
0x63: {  	_ =	shalt  }
0x64: {  	_ =	shalt  }
0x65: {  	_ =	shalt  }
0x66: {  	_ =	shalt  }
0x67: {  	_ =	shalt  }
0x68: {  	_ =	shalt  }
0x69: {  	_ =	shalt  }
0x6a: {  	_ =	shalt  }
0x6b: {  	_ =	shalt  }
0x6c: {  	_ =	shalt  }
0x6d: {  	_ =	shalt  }
0x6e: {  	_ =	shalt  }
0x6f: {  	_ =	shalt  }
0x70: {  	_ =	shalt  }
0x71: {  	_ =	shalt  }
0x72: {  	_ =	shalt  }
0x73: {  	_ =	shalt  }
0x74: {  	_ =	shalt  }
0x75: {  	_ =	shalt  }
0x76: {  	_ =	shalt  }
0x77: {  	_ =	shalt  }
0x78: {  	_ =	shalt  }
0x79: {  	_ =	shalt  }
0x7a: {  	_ =	shalt  }
0x7b: {  	_ =	shalt  }
0x7c: {  	_ =	shalt  }
0x7d: {  	_ =	shalt  }
0x7e: {  	_ =	shalt  }
0x7f: {  	_ =	shalt  }
0x80: {  	_ =	shalt  }
0x81: {  	_ =	shalt  }
0x82: {  	_ =	shalt  }
0x83: {  	_ =	shalt  }
0x84: {  	_ =	shalt  }
0x85: {  	_ =	shalt  }
0x86: {  	_ =	shalt  }
0x87: {  	_ =	shalt  }
.Lfunc_end0:
.L_simem_size_0:
called_computation_lowered:
.L_overlay_start_0:
0x88: {  	s2 =	sld [smem:$0x3FD9]  }
0x89: {  	s3 =	sld [smem:$0x3FFE];
	_ =	sdelay $0x1  }
0x8a: {  	s1 =	srdreg.scid  }
0x8b: {  	s0 =	sand.u32 $0x1, s1  }
0x8c: {  	s17 =	sshll.u32 s0, $0xA;
	s2 =	sadd.s32 s3, s2  }
0x8d: {  	s2 =	sadd.s32 s2, s17  }
0x8e: {  	[smem:$0x3FBF] =	sst s2  }
0x8f: {  	_ = 	snop  }
0x90: {  	s2 =	sld [smem:$0x3FC9]  }
0x91: {  	s18 =	sld [smem:$0x3FC8]  }
0x92: {  	s4 =	sld [smem:$0x3FC7];
	(tm) =	ssettm $0x1  }
0x93: {  	s5 =	sld [smem:$0x3FFB];
	_ =	sdelay $0x3  }
0x94: {  	_ =	strace s5  }
0x95: {  	s5 =	sld [smem:$0x3FFC];
	_ =	sdelay $0x3  }
0x96: {  	_ =	strace s5  }
0x97: {  	s5 =	sld [smem:$0x3FFD];
	_ =	sdelay $0x3  }
0x98: {  	_ =	strace s5  }
0x99: {  	_ =	strace $0x8FFFFFFF  }
0x9a: {  	s19 =	sld [smem:$0x3FDB];
	_ =	sdelay $0x1  }
0x9b: {  	s6 =	simm.s32 $_scs_section_size  }
0x9c: {  	s7 =	simm.s32 $_size__tile_overlayer_lowered;
	s8 =	simm.s32 $_tile_overlayer_lowered  }
0x9d: {  	s22 =	simm.s32 $0x1BFF;
	s21 =	sshll.u32 s8, $0x1;
	s5 =	sadd.s32 s6, s19  }
0x9e: {  	s9 =	simm.s32 $0x0;
	s20 =	sshll.u32 s7, $0x1;
	s7 =	sadd.s32 s21, s5  }
0x9f: {  	[timem:s9], [sflag:s22] =	dma.local [hbm:s7], s20  }
0xa0: {  	_ =	swait.ge [sflag:s22], s20  }
0xa1: {  	s6 =	ssub.s32 $0x0, s20;
	[sflag:s22] =	ssyncset.done $0x0  }
0xa2: {  	[sflag:s22] =	ssyncadd.s32 s6;
	_ =	sdelay $0x1  }
0xa3: {  	s23 =	simm.s32 $0x1B8B  }
0xa4: {  	_ =	swait.ge [sflag:s23], $0x1  }
0xa5: {  	[sflag:s23] =	ssyncset.done $0x0  }
0xa6: {  	s25 =	simm.s32 $0x1B8E;
	s24 =	sld [smem:$0x3FFE];
	[sflag:s23] =	ssyncadd.s32 $0xFFFFFFFF  }
0xa7: {  	s26 =	simm.s32 $execute0_lowered;
	[smem:$0x3FD2] =	sst s25  }
0xa8: {  	s7 =	sshll.u32 s26, $0x1;
	_ =	strace $0x80000046;
	[dreg:$0x1] =	wrdreg $0xFFFFFFFF  }
0xa9: {  	s28 =	simm.s32 $_size_execute0_lowered;
	s5 =	sadd.s32 s5, s7;
	[dreg:$0x0] =	wrdreg $0x0  }
0xaa: {  	s7 =	sshll.u32 s28, $0x1;
	[dreg:$0x2] =	wrdreg s5  }
0xab: {  	[dreg:$0x3] =	wrdreg s7  }
0xac: {  	[dreg:$0x4] =	wrdreg $0xC0  }
0xad: {  	_ =	task [dreg:s9], $0x5FFFF  }
0xae: {  	[dreg:$0x1] =	wrdreg $0xFFFFFFFF  }
0xaf: {  	[dreg:$0x0] =	wrdreg $0x60  }
0xb0: {  	[dreg:$0x2] =	wrdreg s4  }
0xb1: {  	[dreg:$0x3] =	wrdreg s2  }
0xb2: {  	[dreg:$0x4] =	wrdreg s18  }
0xb3: {  	[dreg:$0x5] =	wrdreg s24  }
0xb4: {  	[dreg:$0x6] =	wrdreg $0x9  }
0xb5: {  	_ =	task.clear_ibuf [dreg:s9], $0x7FFFF;
	_ =	strace $0x90000046  }
0xb6: {  	s29 =	simm.s32 $0x9;
	_ =	strace $0x80000048  }
0xb7: {  	_ =	swait.ge [sflag:s29], $0x1  }
0xb8: {  	[sflag:s29] =	ssyncadd.s32 $0xFFFFFFFF  }
0xb9: {  	_ =	strace $0x90000048  }
0xba: {  	_ =	sfence  }
0xbb: {  	s30 =	sld [smem:$0x0];
	_ =	sdelay $0x2  }
0xbc: {  	s31 =	sshll.u32 s1, $0xD;
	s1 =	sshrl.u32 s1, $0x2  }
0xbd: {  	s3 =	sand.u32 $0x4000, s31;
	s1 =	sadd.s32 s1, s30  }
0xbe: {  	s0 =	sor.u32 s3, s0;
	s1 =	sshll.u32 s1, $0x11  }
0xbf: {  	s0 =	sor.u32 s1, s0  }
0xc0: {  	s0 =	sadd.s32 $0x8F2B, s0  }
0xc1: {  	[sflag:s0] =	ssyncadd.remote.s32 $0x1  }
0xc2: {  	_ =	sfence.sel $0xFFFF  }
0xc3: {  	[dreg:$0x0] =	wrdreg $0xFFFFFFFF;
	(pc) =	sbr.abs _section_cstart, $3  }
0xc4: {  	[dreg:$0x1] =	wrdreg $0xFFFFFFFF  }
0xc5: {  	_ =	task.clear_ibuf [dreg:s9], $0x2FFFF;
	_ =	strace $0x9FFFFFFF  }
0xc6: {  	(tm) =	ssettm $0x7FFFFFFF  }
0xc7: {  	_ =	shalt  }
tec
execute0_lowered:
.L_overlay_start_1:
0x0: {  	(tag) =	ssettag $0x1  }
0x1: {  	s0 =	rddreg [dreg:$0x0]  }
0x2: {  	s8 =	rddreg [dreg:$0x1]  }
0x3: {  	s10 =	rddreg [dreg:$0x2]  }
0x4: {  	s1 =	rddreg [dreg:$0x3]  }
0x5: {  	s3 =	simm.s32 $0x0;
	s2 =	srdreg.scid;
	s11 =	stileid.u32  }
0x6: {  	s28 =	simm.s32 $0x8;
	s29 =	simm.s32 $0x1;
	s30 =	simm.s32 $0x1C700  }
0x7: {  	s31 =	simm.s32 $0x2;
	[smem:$0x7FF] =	sst s3;
	s2 =	sand.u32 $0x1, s2  }
0x8: {  	s1 =	sadd.s32 $0x1000, s1;
	s19 =	sshrl.u32 s11, $0x2;
	s6 =	sshll.u32 s11, $0x8  }
0x9: {  	s9 =	sadd.s32 $0x200, s8;
	s20 =	sadd.s32 $0x400, s8;
	s22 =	sadd.s32 $0x600, s8  }
0xa: {  	s23 =	sshll.u32 s11, $0xF;
	s24 =	sadd.s32 $0x200, s10;
	s12 =	sadd.s32 $0x400, s10  }
0xb: {  	s14 =	sadd.s32 $0x600, s10;
	_ =	strace $0x80000047;
	[dreg:$0x5] =	wrdreg s9  }
0xc: {  	s8 =	simm.s32 $0x0;
	s4 =	ssub.s32 $0x2, s2;
	[dreg:$0x6] =	wrdreg s20  }
0xd: {  	s2 =	sshll.u32 s2, $0x7;
	s6 =	sand.u32 $0x300, s6;
	[dreg:$0x7] =	wrdreg s22  }
0xe: {  	s7 =	smul.u32 $0xC3800, s19;
	[dreg:$0x9] =	wrdreg s24;
	s25 =	sand.u32 $0x60000, s23  }
0xf: {  	s24 =	simm.s32 $0x1B700;
	s5 =	sshrl.u32 s4, $0x1;
	s2 =	sor.u32 s2, s6  }
0x10: {  	s4 =	ssub.s32 s4, s5;
	s5 =	sshll.u32 s19, $0x11;
	s21 =	sor.u32 s7, s2  }
0x11: {  	s7 =	simm.s32 $0x7;
	s5 =	sor.u32 s5, s2;
	s6 =	sshrl.u32 s21, $0x3  }
0x12: {  	s20 =	smax.u32 s4, $0x1;
	s4 =	simm.s32 $0x3;
	s0 =	sadd.s32 s0, s6  }
0x13: {  	s5 =	sshrl.u32 s5, $0x3;
	s6 =	simm.s32 $0x6;
	[dreg:$0x8] =	wrdreg s0  }
0x14: {  	s9 =	sadd.s32 s1, s5;
	s5 =	sor.u32 s25, s2;
	s0 =	sor.u32 s23, s2  }
0x15: {  	s23 =	simm.s32 $0x1A700;
	s25 =	simm.s32 $0x80;
	s2 =	simm.s32 $0x4  }
0x16: {  	s11 =	sadd.s32 $0x1000, s9;
	s13 =	sadd.s32 $0x2000, s9;
	s5 =	sshrl.u32 s5, $0x3  }
0x17: {  	s15 =	sadd.s32 $0x3000, s9;
	s0 =	sshrl.u32 s0, $0x3;
	s26 =	sadd.s32 s5, s1  }
0x18: {  	s0 =	sor.u32 $0x13000, s0;
	s5 =	simm.s32 $0x5;
	s16 =	sadd.s32 $0x10000, s26  }
0x19: {  	s17 =	sadd.s32 $0x11000, s26;
	s18 =	sadd.s32 $0x12000, s26;
	s19 =	sadd.s32 s1, s0  }
0x1a: {  	s26 =	simm.s32 $0x400;
	s0 =	simm.s32 $0x1D700;
	s1 =	simm.s32 $0x1E700  }
.LBB2_1:
0x1b: {  	s10 =	rddreg [dreg:$0x1];
	s21 =	simm.s32 $0x18700  }
0x1c: {  	[tilespmem:s21], [sflag:$0x1] =	stream.linear.gather [hbm4b:s10+s3], $0x1000, $0x38;
	[tilespmem:$0x1F700] =	vst v63  }
0x1d: {  	s22 =	simm.s32 $0x19700;
	s10 =	rddreg [dreg:$0x5]  }
0x1e: {  	[tilespmem:s22], [sflag:$0x2] =	stream.linear.gather [hbm4b:s10+s3], $0x1000, $0x38;
	[tilespmem:$0x1F700] =	vst v63  }
0x1f: {  	s22 =	rddreg [dreg:$0x6]  }
0x20: {  	[tilespmem:s23], [sflag:$0x3] =	stream.linear.gather [hbm4b:s22+s3], $0x1000, $0x38;
	[tilespmem:$0x1F700] =	vst v63  }
0x21: {  	s22 =	rddreg [dreg:$0x7]  }
0x22: {  	[tilespmem:s24], [sflag:$0x4] =	stream.linear.gather [hbm4b:s22+s3], $0x1000, $0x38;
	[tilespmem:$0x1F700] =	vst v63  }
0x23: {  	s22 =	rddreg [dreg:$0x8]  }
0x24: {  	[tilespmem:s3], [sflag:$0x8] =	stream.strided.gather [hbm4b:s22+s25], $0x18700, s26, s25, $0x38;
	[tilespmem:$0x1F700] =	vst v63  }
0x25: {  	_ =	swait.ge [sflag:s28], $0x18700  }
0x26: {  	[sflag:s28] =	ssyncset.done $0x0  }
0x27: {  	[sflag:s28] =	ssyncadd.s32 $0xFFFE7900  }
0x28: {  	_ =	swait.ge [sflag:s29], $0x1000  }
0x29: {  	[sflag:s29] =	ssyncset.done $0x0  }
0x2a: {  	[sflag:s29] =	ssyncadd.s32 $0xFFFFF000  }
0x2b: {  	s22 =	rddreg [dreg:$0x2]  }
0x2c: {  	[tilespmem:s21], [sflag:$0x1] =	stream.linear.gather [hbm4b:s22+s3], $0x1000, $0x38;
	[tilespmem:$0x1F700] =	vst v63  }
0x2d: {  	s22 =	simm.s32 $0x18780  }
0x2e: {  	v0 =	vld [tilespmem:s22+$0x70]  }
0x2f: {  	v1 =	vld [tilespmem:s22+$0xFFFFFF90]  }
0x30: {  	v2 =	vld [tilespmem:s22+$0xFFFFFFA0]  }
0x31: {  	v3 =	vld [tilespmem:s22+$0xFFFFFFB0]  }
0x32: {  	v4 =	vld [tilespmem:s22+$0xFFFFFFC0]  }
0x33: {  	v5 =	vld [tilespmem:s22+$0xFFFFFFD0]  }
0x34: {  	v6 =	vld [tilespmem:s22+$0xFFFFFFE0]  }
0x35: {  	v7 =	vld [tilespmem:s22+$0xFFFFFFF0]  }
0x36: {  	v8 =	vld [tilespmem:s22+$0x0]  }
0x37: {  	v9 =	vld [tilespmem:s22+$0x10]  }
0x38: {  	v10 =	vld [tilespmem:s22+$0x20]  }
0x39: {  	v11 =	vld [tilespmem:s22+$0x30]  }
0x3a: {  	v12 =	vld [tilespmem:s22+$0x40]  }
0x3b: {  	v13 =	vld [tilespmem:s22+$0x50]  }
0x3c: {  	v14 =	vld [tilespmem:s22+$0x60]  }
0x3d: {  	v15 =	vld [tilespmem:s22+$0xFFFFFF80]  }
0x3e: {  	v0 =	vld.idx.msk [tilespmem:v0+s3+$0x0], $0xffff  }
0x3f: {  	v1 =	vld.idx.msk [tilespmem:v1+s3+$0x0], $0xffff  }
0x40: {  	v2 =	vld.idx.msk [tilespmem:v2+s3+$0x0], $0xffff  }
0x41: {  	v3 =	vld.idx.msk [tilespmem:v3+s3+$0x0], $0xffff  }
0x42: {  	v4 =	vld.idx.msk [tilespmem:v4+s3+$0x0], $0xffff  }
0x43: {  	s21 =	simm.s32 $0x1C780;
	v5 =	vld.idx.msk [tilespmem:v5+s3+$0x0], $0xffff  }
0x44: {  	v6 =	vld.idx.msk [tilespmem:v6+s3+$0x0], $0xffff;
	[tilespmem:s21+$0x70] =	vst v0  }
0x45: {  	v7 =	vld.idx.msk [tilespmem:v7+s3+$0x0], $0xffff;
	[tilespmem:s21+$0xFFFFFF90] =	vst v1  }
0x46: {  	v15 =	vld.idx.msk [tilespmem:v15+s3+$0x0], $0xffff;
	[tilespmem:s21+$0xFFFFFFA0] =	vst v2  }
0x47: {  	v8 =	vld.idx.msk [tilespmem:v8+s3+$0x0], $0xffff;
	[tilespmem:s21+$0xFFFFFFB0] =	vst v3  }
0x48: {  	[tilespmem:s21+$0xFFFFFFC0] =	vst v4;
	v0 =	vld.idx.msk [tilespmem:v9+s3+$0x0], $0xffff  }
0x49: {  	[tilespmem:s21+$0xFFFFFFD0] =	vst v5;
	v1 =	vld.idx.msk [tilespmem:v10+s3+$0x0], $0xffff  }
0x4a: {  	[tilespmem:s21+$0xFFFFFFE0] =	vst v6;
	v2 =	vld.idx.msk [tilespmem:v11+s3+$0x0], $0xffff  }
0x4b: {  	[tilespmem:s21+$0xFFFFFFF0] =	vst v7;
	v3 =	vld.idx.msk [tilespmem:v12+s3+$0x0], $0xffff  }
0x4c: {  	[tilespmem:s21+$0xFFFFFF80] =	vst v15;
	v4 =	vld.idx.msk [tilespmem:v13+s3+$0x0], $0xffff  }
0x4d: {  	s10 =	simm.s32 $0x0;
	s22 =	simm.s32 $0x18880;
	[tilespmem:s21+$0x0] =	vst v8;
	v5 =	vld.idx.msk [tilespmem:v14+s3+$0x0], $0xffff  }
.LBB2_2:
0x4e: {  	v6 =	vld [tilespmem:s22+$0x70];
	s10 =	sadd.s32 $0x10, s10;
	[tilespmem:s21+$0x10] =	vst v0  }
0x4f: {  	v0 =	vld [tilespmem:s22+$0xFFFFFF90];
	p0 =	slt.u32 s10, $0xF0;
	[tilespmem:s21+$0x20] =	vst v1  }
0x50: {  	v1 =	vld [tilespmem:s22+$0xFFFFFFA0];
	[tilespmem:s21+$0x30] =	vst v2  }
0x51: {  	v2 =	vld [tilespmem:s22+$0xFFFFFFB0];
	[tilespmem:s21+$0x40] =	vst v3  }
0x52: {  	v3 =	vld [tilespmem:s22+$0xFFFFFFC0];
	[tilespmem:s21+$0x50] =	vst v4  }
0x53: {  	v4 =	vld [tilespmem:s22+$0xFFFFFFD0];
	[tilespmem:s21+$0x60] =	vst v5  }
0x54: {  	v5 =	vld [tilespmem:s22+$0xFFFFFFE0]  }
0x55: {  	v7 =	vld [tilespmem:s22+$0xFFFFFFF0]  }
0x56: {  	v6 =	vld.idx.msk [tilespmem:v6+s3+$0x0], $0xffff  }
0x57: {  	v8 =	vld [tilespmem:s22+$0x0]  }
0x58: {  	v9 =	vld [tilespmem:s22+$0x10]  }
0x59: {  	v10 =	vld [tilespmem:s22+$0x20]  }
0x5a: {  	v11 =	vld [tilespmem:s22+$0x30]  }
0x5b: {  	s21 =	sadd.s32 $0x100, s21;
	v12 =	vld [tilespmem:s22+$0x40]  }
0x5c: {  	v13 =	vld [tilespmem:s22+$0x50];
	[tilespmem:s21+$0x70] =	vst v6  }
0x5d: {  	v6 =	vld [tilespmem:s22+$0x60]  }
0x5e: {  	v14 =	vld [tilespmem:s22+$0xFFFFFF80]  }
0x5f: {  	v0 =	vld.idx.msk [tilespmem:v0+s3+$0x0], $0xffff  }
0x60: {  	v1 =	vld.idx.msk [tilespmem:v1+s3+$0x0], $0xffff  }
0x61: {  	v2 =	vld.idx.msk [tilespmem:v2+s3+$0x0], $0xffff  }
0x62: {  	v3 =	vld.idx.msk [tilespmem:v3+s3+$0x0], $0xffff  }
0x63: {  	v4 =	vld.idx.msk [tilespmem:v4+s3+$0x0], $0xffff  }
0x64: {  	v5 =	vld.idx.msk [tilespmem:v5+s3+$0x0], $0xffff  }
0x65: {  	[tilespmem:s21+$0xFFFFFF90] =	vst v0;
	v7 =	vld.idx.msk [tilespmem:v7+s3+$0x0], $0xffff  }
0x66: {  	v14 =	vld.idx.msk [tilespmem:v14+s3+$0x0], $0xffff;
	[tilespmem:s21+$0xFFFFFFA0] =	vst v1  }
0x67: {  	[tilespmem:s21+$0xFFFFFFB0] =	vst v2;
	v8 =	vld.idx.msk [tilespmem:v8+s3+$0x0], $0xffff  }
0x68: {  	[tilespmem:s21+$0xFFFFFFC0] =	vst v3;
	v0 =	vld.idx.msk [tilespmem:v9+s3+$0x0], $0xffff  }
.Ltmp0:
0x69: {  	[tilespmem:s21+$0xFFFFFFD0] =	vst v4;
	v1 =	vld.idx.msk [tilespmem:v10+s3+$0x0], $0xffff;
	(pc) =	sbr.rel @p0 .LBB2_2-.Ltmp0, $4  }
0x6a: {  	[tilespmem:s21+$0xFFFFFFE0] =	vst v5;
	v2 =	vld.idx.msk [tilespmem:v11+s3+$0x0], $0xffff  }
0x6b: {  	[tilespmem:s21+$0xFFFFFFF0] =	vst v7;
	v3 =	vld.idx.msk [tilespmem:v12+s3+$0x0], $0xffff  }
0x6c: {  	[tilespmem:s21+$0xFFFFFF80] =	vst v14;
	v4 =	vld.idx.msk [tilespmem:v13+s3+$0x0], $0xffff  }
0x6d: {  	s22 =	sadd.s32 $0x100, s22;
	[tilespmem:s21+$0x0] =	vst v8;
	v5 =	vld.idx.msk [tilespmem:v6+s3+$0x0], $0xffff  }
0x6e: {  	[tilespmem:s21+$0x10] =	vst v0  }
0x6f: {  	[tilespmem:s21+$0x20] =	vst v1  }
0x70: {  	[tilespmem:s21+$0x30] =	vst v2  }
0x71: {  	[tilespmem:s21+$0x40] =	vst v3  }
0x72: {  	[tilespmem:s21+$0x50] =	vst v4  }
0x73: {  	[tilespmem:s21+$0x60] =	vst v5  }
0x74: {  	[hbm4b:s9+s25] =	stream.strided.scatter [tilespmem:s30], [sflag:$0x5], $0x1000, s26, s25, $0x38;
	[tilespmem:$0x1F700] =	vst v63  }
0x75: {  	_ =	swait.ge [sflag:s31], $0x1000  }
0x76: {  	[sflag:s31] =	ssyncset.done $0x0  }
0x77: {  	s22 =	simm.s32 $0x19700;
	s10 =	rddreg [dreg:$0x9];
	[sflag:s31] =	ssyncadd.s32 $0xFFFFF000  }
0x78: {  	[tilespmem:s22], [sflag:$0x2] =	stream.linear.gather [hbm4b:s10+s3], $0x1000, $0x38;
	[tilespmem:$0x1F700] =	vst v63  }
0x79: {  	s22 =	simm.s32 $0x19780  }
0x7a: {  	v0 =	vld [tilespmem:s22+$0x70]  }
0x7b: {  	v1 =	vld [tilespmem:s22+$0xFFFFFF90]  }
0x7c: {  	v2 =	vld [tilespmem:s22+$0xFFFFFFA0]  }
0x7d: {  	v3 =	vld [tilespmem:s22+$0xFFFFFFB0]  }
0x7e: {  	v4 =	vld [tilespmem:s22+$0xFFFFFFC0]  }
0x7f: {  	v5 =	vld [tilespmem:s22+$0xFFFFFFD0]  }
0x80: {  	v6 =	vld [tilespmem:s22+$0xFFFFFFE0]  }
0x81: {  	v7 =	vld [tilespmem:s22+$0xFFFFFFF0]  }
0x82: {  	v8 =	vld [tilespmem:s22+$0x0]  }
0x83: {  	v9 =	vld [tilespmem:s22+$0x10]  }
0x84: {  	v10 =	vld [tilespmem:s22+$0x20]  }
0x85: {  	v11 =	vld [tilespmem:s22+$0x30]  }
0x86: {  	v12 =	vld [tilespmem:s22+$0x40]  }
0x87: {  	v13 =	vld [tilespmem:s22+$0x50]  }
0x88: {  	v14 =	vld [tilespmem:s22+$0x60]  }
0x89: {  	v15 =	vld [tilespmem:s22+$0xFFFFFF80]  }
0x8a: {  	v0 =	vld.idx.msk [tilespmem:v0+s3+$0x0], $0xffff  }
0x8b: {  	v1 =	vld.idx.msk [tilespmem:v1+s3+$0x0], $0xffff  }
0x8c: {  	v2 =	vld.idx.msk [tilespmem:v2+s3+$0x0], $0xffff  }
0x8d: {  	v3 =	vld.idx.msk [tilespmem:v3+s3+$0x0], $0xffff  }
0x8e: {  	v4 =	vld.idx.msk [tilespmem:v4+s3+$0x0], $0xffff  }
0x8f: {  	s21 =	simm.s32 $0x1D780;
	v5 =	vld.idx.msk [tilespmem:v5+s3+$0x0], $0xffff  }
0x90: {  	v6 =	vld.idx.msk [tilespmem:v6+s3+$0x0], $0xffff;
	[tilespmem:s21+$0x70] =	vst v0  }
0x91: {  	v7 =	vld.idx.msk [tilespmem:v7+s3+$0x0], $0xffff;
	[tilespmem:s21+$0xFFFFFF90] =	vst v1  }
0x92: {  	v15 =	vld.idx.msk [tilespmem:v15+s3+$0x0], $0xffff;
	[tilespmem:s21+$0xFFFFFFA0] =	vst v2  }
0x93: {  	v8 =	vld.idx.msk [tilespmem:v8+s3+$0x0], $0xffff;
	[tilespmem:s21+$0xFFFFFFB0] =	vst v3  }
0x94: {  	[tilespmem:s21+$0xFFFFFFC0] =	vst v4;
	v0 =	vld.idx.msk [tilespmem:v9+s3+$0x0], $0xffff  }
0x95: {  	[tilespmem:s21+$0xFFFFFFD0] =	vst v5;
	v1 =	vld.idx.msk [tilespmem:v10+s3+$0x0], $0xffff  }
0x96: {  	[tilespmem:s21+$0xFFFFFFE0] =	vst v6;
	v2 =	vld.idx.msk [tilespmem:v11+s3+$0x0], $0xffff  }
0x97: {  	[tilespmem:s21+$0xFFFFFFF0] =	vst v7;
	v3 =	vld.idx.msk [tilespmem:v12+s3+$0x0], $0xffff  }
0x98: {  	[tilespmem:s21+$0xFFFFFF80] =	vst v15;
	v4 =	vld.idx.msk [tilespmem:v13+s3+$0x0], $0xffff  }
0x99: {  	s10 =	simm.s32 $0x0;
	s22 =	simm.s32 $0x19880;
	[tilespmem:s21+$0x0] =	vst v8;
	v5 =	vld.idx.msk [tilespmem:v14+s3+$0x0], $0xffff  }
.LBB2_4:
0x9a: {  	v6 =	vld [tilespmem:s22+$0x70];
	s10 =	sadd.s32 $0x10, s10;
	[tilespmem:s21+$0x10] =	vst v0  }
0x9b: {  	v0 =	vld [tilespmem:s22+$0xFFFFFF90];
	p0 =	slt.u32 s10, $0xF0;
	[tilespmem:s21+$0x20] =	vst v1  }
0x9c: {  	v1 =	vld [tilespmem:s22+$0xFFFFFFA0];
	[tilespmem:s21+$0x30] =	vst v2  }
0x9d: {  	v2 =	vld [tilespmem:s22+$0xFFFFFFB0];
	[tilespmem:s21+$0x40] =	vst v3  }
0x9e: {  	v3 =	vld [tilespmem:s22+$0xFFFFFFC0];
	[tilespmem:s21+$0x50] =	vst v4  }
0x9f: {  	v4 =	vld [tilespmem:s22+$0xFFFFFFD0];
	[tilespmem:s21+$0x60] =	vst v5  }
0xa0: {  	v5 =	vld [tilespmem:s22+$0xFFFFFFE0]  }
0xa1: {  	v7 =	vld [tilespmem:s22+$0xFFFFFFF0]  }
0xa2: {  	v6 =	vld.idx.msk [tilespmem:v6+s3+$0x0], $0xffff  }
0xa3: {  	v8 =	vld [tilespmem:s22+$0x0]  }
0xa4: {  	v9 =	vld [tilespmem:s22+$0x10]  }
0xa5: {  	v10 =	vld [tilespmem:s22+$0x20]  }
0xa6: {  	v11 =	vld [tilespmem:s22+$0x30]  }
0xa7: {  	s21 =	sadd.s32 $0x100, s21;
	v12 =	vld [tilespmem:s22+$0x40]  }
0xa8: {  	v13 =	vld [tilespmem:s22+$0x50];
	[tilespmem:s21+$0x70] =	vst v6  }
0xa9: {  	v6 =	vld [tilespmem:s22+$0x60]  }
0xaa: {  	v14 =	vld [tilespmem:s22+$0xFFFFFF80]  }
0xab: {  	v0 =	vld.idx.msk [tilespmem:v0+s3+$0x0], $0xffff  }
0xac: {  	v1 =	vld.idx.msk [tilespmem:v1+s3+$0x0], $0xffff  }
0xad: {  	v2 =	vld.idx.msk [tilespmem:v2+s3+$0x0], $0xffff  }
0xae: {  	v3 =	vld.idx.msk [tilespmem:v3+s3+$0x0], $0xffff  }
0xaf: {  	v4 =	vld.idx.msk [tilespmem:v4+s3+$0x0], $0xffff  }
0xb0: {  	v5 =	vld.idx.msk [tilespmem:v5+s3+$0x0], $0xffff  }
0xb1: {  	[tilespmem:s21+$0xFFFFFF90] =	vst v0;
	v7 =	vld.idx.msk [tilespmem:v7+s3+$0x0], $0xffff  }
0xb2: {  	v14 =	vld.idx.msk [tilespmem:v14+s3+$0x0], $0xffff;
	[tilespmem:s21+$0xFFFFFFA0] =	vst v1  }
0xb3: {  	[tilespmem:s21+$0xFFFFFFB0] =	vst v2;
	v8 =	vld.idx.msk [tilespmem:v8+s3+$0x0], $0xffff  }
0xb4: {  	[tilespmem:s21+$0xFFFFFFC0] =	vst v3;
	v0 =	vld.idx.msk [tilespmem:v9+s3+$0x0], $0xffff  }
.Ltmp1:
0xb5: {  	[tilespmem:s21+$0xFFFFFFD0] =	vst v4;
	v1 =	vld.idx.msk [tilespmem:v10+s3+$0x0], $0xffff;
	(pc) =	sbr.rel @p0 .LBB2_4-.Ltmp1, $4  }
0xb6: {  	[tilespmem:s21+$0xFFFFFFE0] =	vst v5;
	v2 =	vld.idx.msk [tilespmem:v11+s3+$0x0], $0xffff  }
0xb7: {  	[tilespmem:s21+$0xFFFFFFF0] =	vst v7;
	v3 =	vld.idx.msk [tilespmem:v12+s3+$0x0], $0xffff  }
0xb8: {  	[tilespmem:s21+$0xFFFFFF80] =	vst v14;
	v4 =	vld.idx.msk [tilespmem:v13+s3+$0x0], $0xffff  }
0xb9: {  	s22 =	sadd.s32 $0x100, s22;
	[tilespmem:s21+$0x0] =	vst v8;
	v5 =	vld.idx.msk [tilespmem:v6+s3+$0x0], $0xffff  }
0xba: {  	[tilespmem:s21+$0x10] =	vst v0  }
0xbb: {  	[tilespmem:s21+$0x20] =	vst v1  }
0xbc: {  	[tilespmem:s21+$0x30] =	vst v2  }
0xbd: {  	[tilespmem:s21+$0x40] =	vst v3  }
0xbe: {  	[tilespmem:s21+$0x50] =	vst v4  }
0xbf: {  	[tilespmem:s21+$0x60] =	vst v5  }
0xc0: {  	[hbm4b:s11+s25] =	stream.strided.scatter [tilespmem:s0], [sflag:$0x6], $0x1000, s26, s25, $0x38;
	[tilespmem:$0x1F700] =	vst v63  }
0xc1: {  	_ =	swait.ge [sflag:s4], $0x1000  }
0xc2: {  	[sflag:s4] =	ssyncset.done $0x0  }
0xc3: {  	s10 =	simm.s32 $0x1A780;
	[sflag:s4] =	ssyncadd.s32 $0xFFFFF000  }
0xc4: {  	[tilespmem:s23], [sflag:$0x3] =	stream.linear.gather [hbm4b:s12+s3], $0x1000, $0x38;
	[tilespmem:$0x1F700] =	vst v63  }
0xc5: {  	v0 =	vld [tilespmem:s10+$0x70]  }
0xc6: {  	v1 =	vld [tilespmem:s10+$0xFFFFFF90]  }
0xc7: {  	v2 =	vld [tilespmem:s10+$0xFFFFFFA0]  }
0xc8: {  	v3 =	vld [tilespmem:s10+$0xFFFFFFB0]  }
0xc9: {  	v4 =	vld [tilespmem:s10+$0xFFFFFFC0]  }
0xca: {  	v5 =	vld [tilespmem:s10+$0xFFFFFFD0]  }
0xcb: {  	v6 =	vld [tilespmem:s10+$0xFFFFFFE0]  }
0xcc: {  	v7 =	vld [tilespmem:s10+$0xFFFFFFF0]  }
0xcd: {  	v8 =	vld [tilespmem:s10+$0x0]  }
0xce: {  	v9 =	vld [tilespmem:s10+$0x10]  }
0xcf: {  	v10 =	vld [tilespmem:s10+$0x20]  }
0xd0: {  	v11 =	vld [tilespmem:s10+$0x30]  }
0xd1: {  	v12 =	vld [tilespmem:s10+$0x40]  }
0xd2: {  	v13 =	vld [tilespmem:s10+$0x50]  }
0xd3: {  	v14 =	vld [tilespmem:s10+$0x60]  }
0xd4: {  	v15 =	vld [tilespmem:s10+$0xFFFFFF80]  }
0xd5: {  	v0 =	vld.idx.msk [tilespmem:v0+s3+$0x0], $0xffff  }
0xd6: {  	v1 =	vld.idx.msk [tilespmem:v1+s3+$0x0], $0xffff  }
0xd7: {  	v2 =	vld.idx.msk [tilespmem:v2+s3+$0x0], $0xffff  }
0xd8: {  	v3 =	vld.idx.msk [tilespmem:v3+s3+$0x0], $0xffff  }
0xd9: {  	v4 =	vld.idx.msk [tilespmem:v4+s3+$0x0], $0xffff  }
0xda: {  	s21 =	simm.s32 $0x1E780;
	v5 =	vld.idx.msk [tilespmem:v5+s3+$0x0], $0xffff  }
0xdb: {  	v6 =	vld.idx.msk [tilespmem:v6+s3+$0x0], $0xffff;
	[tilespmem:s21+$0x70] =	vst v0  }
0xdc: {  	v7 =	vld.idx.msk [tilespmem:v7+s3+$0x0], $0xffff;
	[tilespmem:s21+$0xFFFFFF90] =	vst v1  }
0xdd: {  	v15 =	vld.idx.msk [tilespmem:v15+s3+$0x0], $0xffff;
	[tilespmem:s21+$0xFFFFFFA0] =	vst v2  }
0xde: {  	v8 =	vld.idx.msk [tilespmem:v8+s3+$0x0], $0xffff;
	[tilespmem:s21+$0xFFFFFFB0] =	vst v3  }
0xdf: {  	[tilespmem:s21+$0xFFFFFFC0] =	vst v4;
	v0 =	vld.idx.msk [tilespmem:v9+s3+$0x0], $0xffff  }
0xe0: {  	[tilespmem:s21+$0xFFFFFFD0] =	vst v5;
	v1 =	vld.idx.msk [tilespmem:v10+s3+$0x0], $0xffff  }
0xe1: {  	[tilespmem:s21+$0xFFFFFFE0] =	vst v6;
	v2 =	vld.idx.msk [tilespmem:v11+s3+$0x0], $0xffff  }
0xe2: {  	[tilespmem:s21+$0xFFFFFFF0] =	vst v7;
	v3 =	vld.idx.msk [tilespmem:v12+s3+$0x0], $0xffff  }
0xe3: {  	[tilespmem:s21+$0xFFFFFF80] =	vst v15;
	v4 =	vld.idx.msk [tilespmem:v13+s3+$0x0], $0xffff  }
0xe4: {  	s22 =	simm.s32 $0x1A880;
	s10 =	simm.s32 $0x0;
	[tilespmem:s21+$0x0] =	vst v8;
	v5 =	vld.idx.msk [tilespmem:v14+s3+$0x0], $0xffff  }
.LBB2_6:
0xe5: {  	v6 =	vld [tilespmem:s22+$0x70];
	s10 =	sadd.s32 $0x10, s10;
	[tilespmem:s21+$0x10] =	vst v0  }
0xe6: {  	v0 =	vld [tilespmem:s22+$0xFFFFFF90];
	p0 =	slt.u32 s10, $0xF0;
	[tilespmem:s21+$0x20] =	vst v1  }
0xe7: {  	v1 =	vld [tilespmem:s22+$0xFFFFFFA0];
	[tilespmem:s21+$0x30] =	vst v2  }
0xe8: {  	v2 =	vld [tilespmem:s22+$0xFFFFFFB0];
	[tilespmem:s21+$0x40] =	vst v3  }
0xe9: {  	v3 =	vld [tilespmem:s22+$0xFFFFFFC0];
	[tilespmem:s21+$0x50] =	vst v4  }
0xea: {  	v4 =	vld [tilespmem:s22+$0xFFFFFFD0];
	[tilespmem:s21+$0x60] =	vst v5  }
0xeb: {  	v5 =	vld [tilespmem:s22+$0xFFFFFFE0]  }
0xec: {  	v7 =	vld [tilespmem:s22+$0xFFFFFFF0]  }
0xed: {  	v6 =	vld.idx.msk [tilespmem:v6+s3+$0x0], $0xffff  }
0xee: {  	v8 =	vld [tilespmem:s22+$0x0]  }
0xef: {  	v9 =	vld [tilespmem:s22+$0x10]  }
0xf0: {  	v10 =	vld [tilespmem:s22+$0x20]  }
0xf1: {  	v11 =	vld [tilespmem:s22+$0x30]  }
0xf2: {  	s21 =	sadd.s32 $0x100, s21;
	v12 =	vld [tilespmem:s22+$0x40]  }
0xf3: {  	v13 =	vld [tilespmem:s22+$0x50];
	[tilespmem:s21+$0x70] =	vst v6  }
0xf4: {  	v6 =	vld [tilespmem:s22+$0x60]  }
0xf5: {  	v14 =	vld [tilespmem:s22+$0xFFFFFF80]  }
0xf6: {  	v0 =	vld.idx.msk [tilespmem:v0+s3+$0x0], $0xffff  }
0xf7: {  	v1 =	vld.idx.msk [tilespmem:v1+s3+$0x0], $0xffff  }
0xf8: {  	v2 =	vld.idx.msk [tilespmem:v2+s3+$0x0], $0xffff  }
0xf9: {  	v3 =	vld.idx.msk [tilespmem:v3+s3+$0x0], $0xffff  }
0xfa: {  	v4 =	vld.idx.msk [tilespmem:v4+s3+$0x0], $0xffff  }
0xfb: {  	v5 =	vld.idx.msk [tilespmem:v5+s3+$0x0], $0xffff  }
0xfc: {  	[tilespmem:s21+$0xFFFFFF90] =	vst v0;
	v7 =	vld.idx.msk [tilespmem:v7+s3+$0x0], $0xffff  }
0xfd: {  	v14 =	vld.idx.msk [tilespmem:v14+s3+$0x0], $0xffff;
	[tilespmem:s21+$0xFFFFFFA0] =	vst v1  }
0xfe: {  	[tilespmem:s21+$0xFFFFFFB0] =	vst v2;
	v8 =	vld.idx.msk [tilespmem:v8+s3+$0x0], $0xffff  }
0xff: {  	[tilespmem:s21+$0xFFFFFFC0] =	vst v3;
	v0 =	vld.idx.msk [tilespmem:v9+s3+$0x0], $0xffff  }
.Ltmp2:
0x100: {  	[tilespmem:s21+$0xFFFFFFD0] =	vst v4;
	v1 =	vld.idx.msk [tilespmem:v10+s3+$0x0], $0xffff;
	(pc) =	sbr.rel @p0 .LBB2_6-.Ltmp2, $4  }
0x101: {  	[tilespmem:s21+$0xFFFFFFE0] =	vst v5;
	v2 =	vld.idx.msk [tilespmem:v11+s3+$0x0], $0xffff  }
0x102: {  	[tilespmem:s21+$0xFFFFFFF0] =	vst v7;
	v3 =	vld.idx.msk [tilespmem:v12+s3+$0x0], $0xffff  }
0x103: {  	[tilespmem:s21+$0xFFFFFF80] =	vst v14;
	v4 =	vld.idx.msk [tilespmem:v13+s3+$0x0], $0xffff  }
0x104: {  	s22 =	sadd.s32 $0x100, s22;
	[tilespmem:s21+$0x0] =	vst v8;
	v5 =	vld.idx.msk [tilespmem:v6+s3+$0x0], $0xffff  }
0x105: {  	[tilespmem:s21+$0x10] =	vst v0  }
0x106: {  	[tilespmem:s21+$0x20] =	vst v1  }
0x107: {  	[tilespmem:s21+$0x30] =	vst v2  }
0x108: {  	[tilespmem:s21+$0x40] =	vst v3  }
0x109: {  	[tilespmem:s21+$0x50] =	vst v4  }
0x10a: {  	[tilespmem:s21+$0x60] =	vst v5  }
0x10b: {  	[hbm4b:s13+s25] =	stream.strided.scatter [tilespmem:s1], [sflag:$0x7], $0x1000, s26, s25, $0x38;
	[tilespmem:$0x1F700] =	vst v63  }
0x10c: {  	_ =	swait.ge [sflag:s2], $0x1000  }
0x10d: {  	[sflag:s2] =	ssyncset.done $0x0  }
0x10e: {  	[sflag:s2] =	ssyncadd.s32 $0xFFFFF000  }
0x10f: {  	[tilespmem:s24], [sflag:$0x4] =	stream.linear.gather [hbm4b:s14+s3], $0x1000, $0x38;
	[tilespmem:$0x1F700] =	vst v63  }
0x110: {  	_ =	swait.ge [sflag:s5], $0x1000  }
0x111: {  	[sflag:s5] =	ssyncset.done $0x0  }
0x112: {  	s10 =	simm.s32 $0x1B780;
	[sflag:s5] =	ssyncadd.s32 $0xFFFFF000  }
0x113: {  	v0 =	vld [tilespmem:s10+$0x70]  }
0x114: {  	v1 =	vld [tilespmem:s10+$0xFFFFFF90]  }
0x115: {  	v2 =	vld [tilespmem:s10+$0xFFFFFFA0]  }
0x116: {  	v3 =	vld [tilespmem:s10+$0xFFFFFFB0]  }
0x117: {  	v4 =	vld [tilespmem:s10+$0xFFFFFFC0]  }
0x118: {  	v5 =	vld [tilespmem:s10+$0xFFFFFFD0]  }
0x119: {  	v6 =	vld [tilespmem:s10+$0xFFFFFFE0]  }
0x11a: {  	v7 =	vld [tilespmem:s10+$0xFFFFFFF0]  }
0x11b: {  	v8 =	vld [tilespmem:s10+$0x0]  }
0x11c: {  	v9 =	vld [tilespmem:s10+$0x10]  }
0x11d: {  	v10 =	vld [tilespmem:s10+$0x20]  }
0x11e: {  	v11 =	vld [tilespmem:s10+$0x30]  }
0x11f: {  	v12 =	vld [tilespmem:s10+$0x40]  }
0x120: {  	v13 =	vld [tilespmem:s10+$0x50]  }
0x121: {  	v14 =	vld [tilespmem:s10+$0x60]  }
0x122: {  	v15 =	vld [tilespmem:s10+$0xFFFFFF80]  }
0x123: {  	v0 =	vld.idx.msk [tilespmem:v0+s3+$0x0], $0xffff  }
0x124: {  	v1 =	vld.idx.msk [tilespmem:v1+s3+$0x0], $0xffff  }
0x125: {  	v2 =	vld.idx.msk [tilespmem:v2+s3+$0x0], $0xffff  }
0x126: {  	v3 =	vld.idx.msk [tilespmem:v3+s3+$0x0], $0xffff  }
0x127: {  	v4 =	vld.idx.msk [tilespmem:v4+s3+$0x0], $0xffff  }
0x128: {  	s21 =	simm.s32 $0x1C780;
	v5 =	vld.idx.msk [tilespmem:v5+s3+$0x0], $0xffff  }
0x129: {  	v6 =	vld.idx.msk [tilespmem:v6+s3+$0x0], $0xffff;
	[tilespmem:s21+$0x70] =	vst v0  }
0x12a: {  	v7 =	vld.idx.msk [tilespmem:v7+s3+$0x0], $0xffff;
	[tilespmem:s21+$0xFFFFFF90] =	vst v1  }
0x12b: {  	v15 =	vld.idx.msk [tilespmem:v15+s3+$0x0], $0xffff;
	[tilespmem:s21+$0xFFFFFFA0] =	vst v2  }
0x12c: {  	v8 =	vld.idx.msk [tilespmem:v8+s3+$0x0], $0xffff;
	[tilespmem:s21+$0xFFFFFFB0] =	vst v3  }
0x12d: {  	[tilespmem:s21+$0xFFFFFFC0] =	vst v4;
	v0 =	vld.idx.msk [tilespmem:v9+s3+$0x0], $0xffff  }
0x12e: {  	[tilespmem:s21+$0xFFFFFFD0] =	vst v5;
	v1 =	vld.idx.msk [tilespmem:v10+s3+$0x0], $0xffff  }
0x12f: {  	[tilespmem:s21+$0xFFFFFFE0] =	vst v6;
	v2 =	vld.idx.msk [tilespmem:v11+s3+$0x0], $0xffff  }
0x130: {  	[tilespmem:s21+$0xFFFFFFF0] =	vst v7;
	v3 =	vld.idx.msk [tilespmem:v12+s3+$0x0], $0xffff  }
0x131: {  	[tilespmem:s21+$0xFFFFFF80] =	vst v15;
	v4 =	vld.idx.msk [tilespmem:v13+s3+$0x0], $0xffff  }
0x132: {  	s22 =	simm.s32 $0x1B880;
	s10 =	simm.s32 $0x0;
	[tilespmem:s21+$0x0] =	vst v8;
	v5 =	vld.idx.msk [tilespmem:v14+s3+$0x0], $0xffff  }
.LBB2_8:
0x133: {  	v6 =	vld [tilespmem:s22+$0x70];
	s10 =	sadd.s32 $0x10, s10;
	[tilespmem:s21+$0x10] =	vst v0  }
0x134: {  	v0 =	vld [tilespmem:s22+$0xFFFFFF90];
	p0 =	slt.u32 s10, $0xF0;
	[tilespmem:s21+$0x20] =	vst v1  }
0x135: {  	v1 =	vld [tilespmem:s22+$0xFFFFFFA0];
	[tilespmem:s21+$0x30] =	vst v2  }
0x136: {  	v2 =	vld [tilespmem:s22+$0xFFFFFFB0];
	[tilespmem:s21+$0x40] =	vst v3  }
0x137: {  	v3 =	vld [tilespmem:s22+$0xFFFFFFC0];
	[tilespmem:s21+$0x50] =	vst v4  }
0x138: {  	v4 =	vld [tilespmem:s22+$0xFFFFFFD0];
	[tilespmem:s21+$0x60] =	vst v5  }
0x139: {  	v5 =	vld [tilespmem:s22+$0xFFFFFFE0]  }
0x13a: {  	v7 =	vld [tilespmem:s22+$0xFFFFFFF0]  }
0x13b: {  	v6 =	vld.idx.msk [tilespmem:v6+s3+$0x0], $0xffff  }
0x13c: {  	v8 =	vld [tilespmem:s22+$0x0]  }
0x13d: {  	v9 =	vld [tilespmem:s22+$0x10]  }
0x13e: {  	v10 =	vld [tilespmem:s22+$0x20]  }
0x13f: {  	v11 =	vld [tilespmem:s22+$0x30]  }
0x140: {  	s21 =	sadd.s32 $0x100, s21;
	v12 =	vld [tilespmem:s22+$0x40]  }
0x141: {  	v13 =	vld [tilespmem:s22+$0x50];
	[tilespmem:s21+$0x70] =	vst v6  }
0x142: {  	v6 =	vld [tilespmem:s22+$0x60]  }
0x143: {  	v14 =	vld [tilespmem:s22+$0xFFFFFF80]  }
0x144: {  	v0 =	vld.idx.msk [tilespmem:v0+s3+$0x0], $0xffff  }
0x145: {  	v1 =	vld.idx.msk [tilespmem:v1+s3+$0x0], $0xffff  }
0x146: {  	v2 =	vld.idx.msk [tilespmem:v2+s3+$0x0], $0xffff  }
0x147: {  	v3 =	vld.idx.msk [tilespmem:v3+s3+$0x0], $0xffff  }
0x148: {  	v4 =	vld.idx.msk [tilespmem:v4+s3+$0x0], $0xffff  }
0x149: {  	v5 =	vld.idx.msk [tilespmem:v5+s3+$0x0], $0xffff  }
0x14a: {  	[tilespmem:s21+$0xFFFFFF90] =	vst v0;
	v7 =	vld.idx.msk [tilespmem:v7+s3+$0x0], $0xffff  }
0x14b: {  	v14 =	vld.idx.msk [tilespmem:v14+s3+$0x0], $0xffff;
	[tilespmem:s21+$0xFFFFFFA0] =	vst v1  }
0x14c: {  	[tilespmem:s21+$0xFFFFFFB0] =	vst v2;
	v8 =	vld.idx.msk [tilespmem:v8+s3+$0x0], $0xffff  }
0x14d: {  	[tilespmem:s21+$0xFFFFFFC0] =	vst v3;
	v0 =	vld.idx.msk [tilespmem:v9+s3+$0x0], $0xffff  }
.Ltmp3:
0x14e: {  	[tilespmem:s21+$0xFFFFFFD0] =	vst v4;
	v1 =	vld.idx.msk [tilespmem:v10+s3+$0x0], $0xffff;
	(pc) =	sbr.rel @p0 .LBB2_8-.Ltmp3, $4  }
0x14f: {  	[tilespmem:s21+$0xFFFFFFE0] =	vst v5;
	v2 =	vld.idx.msk [tilespmem:v11+s3+$0x0], $0xffff  }
0x150: {  	[tilespmem:s21+$0xFFFFFFF0] =	vst v7;
	v3 =	vld.idx.msk [tilespmem:v12+s3+$0x0], $0xffff  }
0x151: {  	[tilespmem:s21+$0xFFFFFF80] =	vst v14;
	v4 =	vld.idx.msk [tilespmem:v13+s3+$0x0], $0xffff  }
0x152: {  	s22 =	sadd.s32 $0x100, s22;
	[tilespmem:s21+$0x0] =	vst v8;
	v5 =	vld.idx.msk [tilespmem:v6+s3+$0x0], $0xffff  }
0x153: {  	[tilespmem:s21+$0x10] =	vst v0  }
0x154: {  	[tilespmem:s21+$0x20] =	vst v1  }
0x155: {  	[tilespmem:s21+$0x30] =	vst v2  }
0x156: {  	[tilespmem:s21+$0x40] =	vst v3  }
0x157: {  	[tilespmem:s21+$0x50] =	vst v4  }
0x158: {  	[tilespmem:s21+$0x60] =	vst v5  }
0x159: {  	[hbm4b:s15+s25] =	stream.strided.scatter [tilespmem:s30], [sflag:$0x5], $0x1000, s26, s25, $0x38;
	[tilespmem:$0x1F700] =	vst v63  }
0x15a: {  	_ =	swait.ge [sflag:s29], $0x1000  }
0x15b: {  	[sflag:s29] =	ssyncset.done $0x0  }
0x15c: {  	[sflag:s29] =	ssyncadd.s32 $0xFFFFF000  }
0x15d: {  	_ =	swait.ge [sflag:s6], $0x1000  }
0x15e: {  	[sflag:s6] =	ssyncset.done $0x0  }
0x15f: {  	s10 =	simm.s32 $0x18780;
	[sflag:s6] =	ssyncadd.s32 $0xFFFFF000  }
0x160: {  	v0 =	vld [tilespmem:s10+$0x70]  }
0x161: {  	v1 =	vld [tilespmem:s10+$0xFFFFFF90]  }
0x162: {  	v2 =	vld [tilespmem:s10+$0xFFFFFFA0]  }
0x163: {  	v3 =	vld [tilespmem:s10+$0xFFFFFFB0]  }
0x164: {  	v4 =	vld [tilespmem:s10+$0xFFFFFFC0]  }
0x165: {  	v5 =	vld [tilespmem:s10+$0xFFFFFFD0]  }
0x166: {  	v6 =	vld [tilespmem:s10+$0xFFFFFFE0]  }
0x167: {  	v7 =	vld [tilespmem:s10+$0xFFFFFFF0]  }
0x168: {  	v8 =	vld [tilespmem:s10+$0x0]  }
0x169: {  	v9 =	vld [tilespmem:s10+$0x10]  }
0x16a: {  	v10 =	vld [tilespmem:s10+$0x20]  }
0x16b: {  	v11 =	vld [tilespmem:s10+$0x30]  }
0x16c: {  	v12 =	vld [tilespmem:s10+$0x40]  }
0x16d: {  	v13 =	vld [tilespmem:s10+$0x50]  }
0x16e: {  	v14 =	vld [tilespmem:s10+$0x60]  }
0x16f: {  	v15 =	vld [tilespmem:s10+$0xFFFFFF80]  }
0x170: {  	v0 =	vld.idx.msk [tilespmem:v0+s3+$0x0], $0xffff  }
0x171: {  	v1 =	vld.idx.msk [tilespmem:v1+s3+$0x0], $0xffff  }
0x172: {  	v2 =	vld.idx.msk [tilespmem:v2+s3+$0x0], $0xffff  }
0x173: {  	v3 =	vld.idx.msk [tilespmem:v3+s3+$0x0], $0xffff  }
0x174: {  	v4 =	vld.idx.msk [tilespmem:v4+s3+$0x0], $0xffff  }
0x175: {  	s21 =	simm.s32 $0x1D780;
	v5 =	vld.idx.msk [tilespmem:v5+s3+$0x0], $0xffff  }
0x176: {  	v6 =	vld.idx.msk [tilespmem:v6+s3+$0x0], $0xffff;
	[tilespmem:s21+$0x70] =	vst v0  }
0x177: {  	v7 =	vld.idx.msk [tilespmem:v7+s3+$0x0], $0xffff;
	[tilespmem:s21+$0xFFFFFF90] =	vst v1  }
0x178: {  	v15 =	vld.idx.msk [tilespmem:v15+s3+$0x0], $0xffff;
	[tilespmem:s21+$0xFFFFFFA0] =	vst v2  }
0x179: {  	v8 =	vld.idx.msk [tilespmem:v8+s3+$0x0], $0xffff;
	[tilespmem:s21+$0xFFFFFFB0] =	vst v3  }
0x17a: {  	[tilespmem:s21+$0xFFFFFFC0] =	vst v4;
	v0 =	vld.idx.msk [tilespmem:v9+s3+$0x0], $0xffff  }
0x17b: {  	[tilespmem:s21+$0xFFFFFFD0] =	vst v5;
	v1 =	vld.idx.msk [tilespmem:v10+s3+$0x0], $0xffff  }
0x17c: {  	[tilespmem:s21+$0xFFFFFFE0] =	vst v6;
	v2 =	vld.idx.msk [tilespmem:v11+s3+$0x0], $0xffff  }
0x17d: {  	[tilespmem:s21+$0xFFFFFFF0] =	vst v7;
	v3 =	vld.idx.msk [tilespmem:v12+s3+$0x0], $0xffff  }
0x17e: {  	[tilespmem:s21+$0xFFFFFF80] =	vst v15;
	v4 =	vld.idx.msk [tilespmem:v13+s3+$0x0], $0xffff  }
0x17f: {  	s22 =	simm.s32 $0x18880;
	s10 =	simm.s32 $0x0;
	[tilespmem:s21+$0x0] =	vst v8;
	v5 =	vld.idx.msk [tilespmem:v14+s3+$0x0], $0xffff  }
.LBB2_10:
0x180: {  	v6 =	vld [tilespmem:s22+$0x70];
	s10 =	sadd.s32 $0x10, s10;
	[tilespmem:s21+$0x10] =	vst v0  }
0x181: {  	v0 =	vld [tilespmem:s22+$0xFFFFFF90];
	p0 =	slt.u32 s10, $0xF0;
	[tilespmem:s21+$0x20] =	vst v1  }
0x182: {  	v1 =	vld [tilespmem:s22+$0xFFFFFFA0];
	[tilespmem:s21+$0x30] =	vst v2  }
0x183: {  	v2 =	vld [tilespmem:s22+$0xFFFFFFB0];
	[tilespmem:s21+$0x40] =	vst v3  }
0x184: {  	v3 =	vld [tilespmem:s22+$0xFFFFFFC0];
	[tilespmem:s21+$0x50] =	vst v4  }
0x185: {  	v4 =	vld [tilespmem:s22+$0xFFFFFFD0];
	[tilespmem:s21+$0x60] =	vst v5  }
0x186: {  	v5 =	vld [tilespmem:s22+$0xFFFFFFE0]  }
0x187: {  	v7 =	vld [tilespmem:s22+$0xFFFFFFF0]  }
0x188: {  	v6 =	vld.idx.msk [tilespmem:v6+s3+$0x0], $0xffff  }
0x189: {  	v8 =	vld [tilespmem:s22+$0x0]  }
0x18a: {  	v9 =	vld [tilespmem:s22+$0x10]  }
0x18b: {  	v10 =	vld [tilespmem:s22+$0x20]  }
0x18c: {  	v11 =	vld [tilespmem:s22+$0x30]  }
0x18d: {  	s21 =	sadd.s32 $0x100, s21;
	v12 =	vld [tilespmem:s22+$0x40]  }
0x18e: {  	v13 =	vld [tilespmem:s22+$0x50];
	[tilespmem:s21+$0x70] =	vst v6  }
0x18f: {  	v6 =	vld [tilespmem:s22+$0x60]  }
0x190: {  	v14 =	vld [tilespmem:s22+$0xFFFFFF80]  }
0x191: {  	v0 =	vld.idx.msk [tilespmem:v0+s3+$0x0], $0xffff  }
0x192: {  	v1 =	vld.idx.msk [tilespmem:v1+s3+$0x0], $0xffff  }
0x193: {  	v2 =	vld.idx.msk [tilespmem:v2+s3+$0x0], $0xffff  }
0x194: {  	v3 =	vld.idx.msk [tilespmem:v3+s3+$0x0], $0xffff  }
0x195: {  	v4 =	vld.idx.msk [tilespmem:v4+s3+$0x0], $0xffff  }
0x196: {  	v5 =	vld.idx.msk [tilespmem:v5+s3+$0x0], $0xffff  }
0x197: {  	[tilespmem:s21+$0xFFFFFF90] =	vst v0;
	v7 =	vld.idx.msk [tilespmem:v7+s3+$0x0], $0xffff  }
0x198: {  	v14 =	vld.idx.msk [tilespmem:v14+s3+$0x0], $0xffff;
	[tilespmem:s21+$0xFFFFFFA0] =	vst v1  }
0x199: {  	[tilespmem:s21+$0xFFFFFFB0] =	vst v2;
	v8 =	vld.idx.msk [tilespmem:v8+s3+$0x0], $0xffff  }
0x19a: {  	[tilespmem:s21+$0xFFFFFFC0] =	vst v3;
	v0 =	vld.idx.msk [tilespmem:v9+s3+$0x0], $0xffff  }
.Ltmp4:
0x19b: {  	[tilespmem:s21+$0xFFFFFFD0] =	vst v4;
	v1 =	vld.idx.msk [tilespmem:v10+s3+$0x0], $0xffff;
	(pc) =	sbr.rel @p0 .LBB2_10-.Ltmp4, $4  }
0x19c: {  	[tilespmem:s21+$0xFFFFFFE0] =	vst v5;
	v2 =	vld.idx.msk [tilespmem:v11+s3+$0x0], $0xffff  }
0x19d: {  	[tilespmem:s21+$0xFFFFFFF0] =	vst v7;
	v3 =	vld.idx.msk [tilespmem:v12+s3+$0x0], $0xffff  }
0x19e: {  	[tilespmem:s21+$0xFFFFFF80] =	vst v14;
	v4 =	vld.idx.msk [tilespmem:v13+s3+$0x0], $0xffff  }
0x19f: {  	s22 =	sadd.s32 $0x100, s22;
	[tilespmem:s21+$0x0] =	vst v8;
	v5 =	vld.idx.msk [tilespmem:v6+s3+$0x0], $0xffff  }
0x1a0: {  	[tilespmem:s21+$0x10] =	vst v0  }
0x1a1: {  	[tilespmem:s21+$0x20] =	vst v1  }
0x1a2: {  	[tilespmem:s21+$0x30] =	vst v2  }
0x1a3: {  	[tilespmem:s21+$0x40] =	vst v3  }
0x1a4: {  	[tilespmem:s21+$0x50] =	vst v4  }
0x1a5: {  	[tilespmem:s21+$0x60] =	vst v5  }
0x1a6: {  	[hbm4b:s16+s25] =	stream.strided.scatter [tilespmem:s0], [sflag:$0x6], $0x1000, s26, s25, $0x38;
	[tilespmem:$0x1F700] =	vst v63  }
0x1a7: {  	_ =	swait.ge [sflag:s31], $0x1000  }
0x1a8: {  	[sflag:s31] =	ssyncset.done $0x0  }
0x1a9: {  	[sflag:s31] =	ssyncadd.s32 $0xFFFFF000  }
0x1aa: {  	_ =	swait.ge [sflag:s7], $0x1000  }
0x1ab: {  	[sflag:s7] =	ssyncset.done $0x0  }
0x1ac: {  	s10 =	simm.s32 $0x19780;
	[sflag:s7] =	ssyncadd.s32 $0xFFFFF000  }
0x1ad: {  	v0 =	vld [tilespmem:s10+$0x70]  }
0x1ae: {  	v1 =	vld [tilespmem:s10+$0xFFFFFF90]  }
0x1af: {  	v2 =	vld [tilespmem:s10+$0xFFFFFFA0]  }
0x1b0: {  	v3 =	vld [tilespmem:s10+$0xFFFFFFB0]  }
0x1b1: {  	v4 =	vld [tilespmem:s10+$0xFFFFFFC0]  }
0x1b2: {  	v5 =	vld [tilespmem:s10+$0xFFFFFFD0]  }
0x1b3: {  	v6 =	vld [tilespmem:s10+$0xFFFFFFE0]  }
0x1b4: {  	v7 =	vld [tilespmem:s10+$0xFFFFFFF0]  }
0x1b5: {  	v8 =	vld [tilespmem:s10+$0x0]  }
0x1b6: {  	v9 =	vld [tilespmem:s10+$0x10]  }
0x1b7: {  	v10 =	vld [tilespmem:s10+$0x20]  }
0x1b8: {  	v11 =	vld [tilespmem:s10+$0x30]  }
0x1b9: {  	v12 =	vld [tilespmem:s10+$0x40]  }
0x1ba: {  	v13 =	vld [tilespmem:s10+$0x50]  }
0x1bb: {  	v14 =	vld [tilespmem:s10+$0x60]  }
0x1bc: {  	v15 =	vld [tilespmem:s10+$0xFFFFFF80]  }
0x1bd: {  	v0 =	vld.idx.msk [tilespmem:v0+s3+$0x0], $0xffff  }
0x1be: {  	v1 =	vld.idx.msk [tilespmem:v1+s3+$0x0], $0xffff  }
0x1bf: {  	v2 =	vld.idx.msk [tilespmem:v2+s3+$0x0], $0xffff  }
0x1c0: {  	v3 =	vld.idx.msk [tilespmem:v3+s3+$0x0], $0xffff  }
0x1c1: {  	v4 =	vld.idx.msk [tilespmem:v4+s3+$0x0], $0xffff  }
0x1c2: {  	s21 =	simm.s32 $0x1E780;
	v5 =	vld.idx.msk [tilespmem:v5+s3+$0x0], $0xffff  }
0x1c3: {  	v6 =	vld.idx.msk [tilespmem:v6+s3+$0x0], $0xffff;
	[tilespmem:s21+$0x70] =	vst v0  }
0x1c4: {  	v7 =	vld.idx.msk [tilespmem:v7+s3+$0x0], $0xffff;
	[tilespmem:s21+$0xFFFFFF90] =	vst v1  }
0x1c5: {  	v15 =	vld.idx.msk [tilespmem:v15+s3+$0x0], $0xffff;
	[tilespmem:s21+$0xFFFFFFA0] =	vst v2  }
0x1c6: {  	v8 =	vld.idx.msk [tilespmem:v8+s3+$0x0], $0xffff;
	[tilespmem:s21+$0xFFFFFFB0] =	vst v3  }
0x1c7: {  	[tilespmem:s21+$0xFFFFFFC0] =	vst v4;
	v0 =	vld.idx.msk [tilespmem:v9+s3+$0x0], $0xffff  }
0x1c8: {  	[tilespmem:s21+$0xFFFFFFD0] =	vst v5;
	v1 =	vld.idx.msk [tilespmem:v10+s3+$0x0], $0xffff  }
0x1c9: {  	[tilespmem:s21+$0xFFFFFFE0] =	vst v6;
	v2 =	vld.idx.msk [tilespmem:v11+s3+$0x0], $0xffff  }
0x1ca: {  	[tilespmem:s21+$0xFFFFFFF0] =	vst v7;
	v3 =	vld.idx.msk [tilespmem:v12+s3+$0x0], $0xffff  }
0x1cb: {  	[tilespmem:s21+$0xFFFFFF80] =	vst v15;
	v4 =	vld.idx.msk [tilespmem:v13+s3+$0x0], $0xffff  }
0x1cc: {  	s22 =	simm.s32 $0x19880;
	s10 =	simm.s32 $0x0;
	[tilespmem:s21+$0x0] =	vst v8;
	v5 =	vld.idx.msk [tilespmem:v14+s3+$0x0], $0xffff  }
.LBB2_12:
0x1cd: {  	v6 =	vld [tilespmem:s22+$0x70];
	s10 =	sadd.s32 $0x10, s10;
	[tilespmem:s21+$0x10] =	vst v0  }
0x1ce: {  	v0 =	vld [tilespmem:s22+$0xFFFFFF90];
	p0 =	slt.u32 s10, $0xF0;
	[tilespmem:s21+$0x20] =	vst v1  }
0x1cf: {  	v1 =	vld [tilespmem:s22+$0xFFFFFFA0];
	[tilespmem:s21+$0x30] =	vst v2  }
0x1d0: {  	v2 =	vld [tilespmem:s22+$0xFFFFFFB0];
	[tilespmem:s21+$0x40] =	vst v3  }
0x1d1: {  	v3 =	vld [tilespmem:s22+$0xFFFFFFC0];
	[tilespmem:s21+$0x50] =	vst v4  }
0x1d2: {  	v4 =	vld [tilespmem:s22+$0xFFFFFFD0];
	[tilespmem:s21+$0x60] =	vst v5  }
0x1d3: {  	v5 =	vld [tilespmem:s22+$0xFFFFFFE0]  }
0x1d4: {  	v7 =	vld [tilespmem:s22+$0xFFFFFFF0]  }
0x1d5: {  	v6 =	vld.idx.msk [tilespmem:v6+s3+$0x0], $0xffff  }
0x1d6: {  	v8 =	vld [tilespmem:s22+$0x0]  }
0x1d7: {  	v9 =	vld [tilespmem:s22+$0x10]  }
0x1d8: {  	v10 =	vld [tilespmem:s22+$0x20]  }
0x1d9: {  	v11 =	vld [tilespmem:s22+$0x30]  }
0x1da: {  	s21 =	sadd.s32 $0x100, s21;
	v12 =	vld [tilespmem:s22+$0x40]  }
0x1db: {  	v13 =	vld [tilespmem:s22+$0x50];
	[tilespmem:s21+$0x70] =	vst v6  }
0x1dc: {  	v6 =	vld [tilespmem:s22+$0x60]  }
0x1dd: {  	v14 =	vld [tilespmem:s22+$0xFFFFFF80]  }
0x1de: {  	v0 =	vld.idx.msk [tilespmem:v0+s3+$0x0], $0xffff  }
0x1df: {  	v1 =	vld.idx.msk [tilespmem:v1+s3+$0x0], $0xffff  }
0x1e0: {  	v2 =	vld.idx.msk [tilespmem:v2+s3+$0x0], $0xffff  }
0x1e1: {  	v3 =	vld.idx.msk [tilespmem:v3+s3+$0x0], $0xffff  }
0x1e2: {  	v4 =	vld.idx.msk [tilespmem:v4+s3+$0x0], $0xffff  }
0x1e3: {  	v5 =	vld.idx.msk [tilespmem:v5+s3+$0x0], $0xffff  }
0x1e4: {  	[tilespmem:s21+$0xFFFFFF90] =	vst v0;
	v7 =	vld.idx.msk [tilespmem:v7+s3+$0x0], $0xffff  }
0x1e5: {  	v14 =	vld.idx.msk [tilespmem:v14+s3+$0x0], $0xffff;
	[tilespmem:s21+$0xFFFFFFA0] =	vst v1  }
0x1e6: {  	[tilespmem:s21+$0xFFFFFFB0] =	vst v2;
	v8 =	vld.idx.msk [tilespmem:v8+s3+$0x0], $0xffff  }
0x1e7: {  	[tilespmem:s21+$0xFFFFFFC0] =	vst v3;
	v0 =	vld.idx.msk [tilespmem:v9+s3+$0x0], $0xffff  }
.Ltmp5:
0x1e8: {  	[tilespmem:s21+$0xFFFFFFD0] =	vst v4;
	v1 =	vld.idx.msk [tilespmem:v10+s3+$0x0], $0xffff;
	(pc) =	sbr.rel @p0 .LBB2_12-.Ltmp5, $4  }
0x1e9: {  	[tilespmem:s21+$0xFFFFFFE0] =	vst v5;
	v2 =	vld.idx.msk [tilespmem:v11+s3+$0x0], $0xffff  }
0x1ea: {  	[tilespmem:s21+$0xFFFFFFF0] =	vst v7;
	v3 =	vld.idx.msk [tilespmem:v12+s3+$0x0], $0xffff  }
0x1eb: {  	[tilespmem:s21+$0xFFFFFF80] =	vst v14;
	v4 =	vld.idx.msk [tilespmem:v13+s3+$0x0], $0xffff  }
0x1ec: {  	s22 =	sadd.s32 $0x100, s22;
	[tilespmem:s21+$0x0] =	vst v8;
	v5 =	vld.idx.msk [tilespmem:v6+s3+$0x0], $0xffff  }
0x1ed: {  	[tilespmem:s21+$0x10] =	vst v0  }
0x1ee: {  	[tilespmem:s21+$0x20] =	vst v1  }
0x1ef: {  	[tilespmem:s21+$0x30] =	vst v2  }
0x1f0: {  	[tilespmem:s21+$0x40] =	vst v3  }
0x1f1: {  	[tilespmem:s21+$0x50] =	vst v4  }
0x1f2: {  	[tilespmem:s21+$0x60] =	vst v5  }
0x1f3: {  	[hbm4b:s17+s25] =	stream.strided.scatter [tilespmem:s1], [sflag:$0x7], $0x1000, s26, s25, $0x38;
	[tilespmem:$0x1F700] =	vst v63  }
0x1f4: {  	_ =	swait.ge [sflag:s4], $0x1000  }
0x1f5: {  	[sflag:s4] =	ssyncset.done $0x0  }
0x1f6: {  	[sflag:s4] =	ssyncadd.s32 $0xFFFFF000  }
0x1f7: {  	_ =	swait.ge [sflag:s5], $0x1000  }
0x1f8: {  	[sflag:s5] =	ssyncset.done $0x0  }
0x1f9: {  	s10 =	simm.s32 $0x1A780;
	[sflag:s5] =	ssyncadd.s32 $0xFFFFF000  }
0x1fa: {  	v0 =	vld [tilespmem:s10+$0x70]  }
0x1fb: {  	v1 =	vld [tilespmem:s10+$0xFFFFFF90]  }
0x1fc: {  	v2 =	vld [tilespmem:s10+$0xFFFFFFA0]  }
0x1fd: {  	v3 =	vld [tilespmem:s10+$0xFFFFFFB0]  }
0x1fe: {  	v4 =	vld [tilespmem:s10+$0xFFFFFFC0]  }
0x1ff: {  	v5 =	vld [tilespmem:s10+$0xFFFFFFD0]  }
0x200: {  	v6 =	vld [tilespmem:s10+$0xFFFFFFE0]  }
0x201: {  	v7 =	vld [tilespmem:s10+$0xFFFFFFF0]  }
0x202: {  	v8 =	vld [tilespmem:s10+$0x0]  }
0x203: {  	v9 =	vld [tilespmem:s10+$0x10]  }
0x204: {  	v10 =	vld [tilespmem:s10+$0x20]  }
0x205: {  	v11 =	vld [tilespmem:s10+$0x30]  }
0x206: {  	v12 =	vld [tilespmem:s10+$0x40]  }
0x207: {  	v13 =	vld [tilespmem:s10+$0x50]  }
0x208: {  	v14 =	vld [tilespmem:s10+$0x60]  }
0x209: {  	v15 =	vld [tilespmem:s10+$0xFFFFFF80]  }
0x20a: {  	v0 =	vld.idx.msk [tilespmem:v0+s3+$0x0], $0xffff  }
0x20b: {  	v1 =	vld.idx.msk [tilespmem:v1+s3+$0x0], $0xffff  }
0x20c: {  	v2 =	vld.idx.msk [tilespmem:v2+s3+$0x0], $0xffff  }
0x20d: {  	v3 =	vld.idx.msk [tilespmem:v3+s3+$0x0], $0xffff  }
0x20e: {  	v4 =	vld.idx.msk [tilespmem:v4+s3+$0x0], $0xffff  }
0x20f: {  	s21 =	simm.s32 $0x1C780;
	v5 =	vld.idx.msk [tilespmem:v5+s3+$0x0], $0xffff  }
0x210: {  	v6 =	vld.idx.msk [tilespmem:v6+s3+$0x0], $0xffff;
	[tilespmem:s21+$0x70] =	vst v0  }
0x211: {  	v7 =	vld.idx.msk [tilespmem:v7+s3+$0x0], $0xffff;
	[tilespmem:s21+$0xFFFFFF90] =	vst v1  }
0x212: {  	v15 =	vld.idx.msk [tilespmem:v15+s3+$0x0], $0xffff;
	[tilespmem:s21+$0xFFFFFFA0] =	vst v2  }
0x213: {  	v8 =	vld.idx.msk [tilespmem:v8+s3+$0x0], $0xffff;
	[tilespmem:s21+$0xFFFFFFB0] =	vst v3  }
0x214: {  	[tilespmem:s21+$0xFFFFFFC0] =	vst v4;
	v0 =	vld.idx.msk [tilespmem:v9+s3+$0x0], $0xffff  }
0x215: {  	[tilespmem:s21+$0xFFFFFFD0] =	vst v5;
	v1 =	vld.idx.msk [tilespmem:v10+s3+$0x0], $0xffff  }
0x216: {  	[tilespmem:s21+$0xFFFFFFE0] =	vst v6;
	v2 =	vld.idx.msk [tilespmem:v11+s3+$0x0], $0xffff  }
0x217: {  	[tilespmem:s21+$0xFFFFFFF0] =	vst v7;
	v3 =	vld.idx.msk [tilespmem:v12+s3+$0x0], $0xffff  }
0x218: {  	[tilespmem:s21+$0xFFFFFF80] =	vst v15;
	v4 =	vld.idx.msk [tilespmem:v13+s3+$0x0], $0xffff  }
0x219: {  	s22 =	simm.s32 $0x1A880;
	s10 =	simm.s32 $0x0;
	[tilespmem:s21+$0x0] =	vst v8;
	v5 =	vld.idx.msk [tilespmem:v14+s3+$0x0], $0xffff  }
.LBB2_14:
0x21a: {  	v6 =	vld [tilespmem:s22+$0x70];
	s10 =	sadd.s32 $0x10, s10;
	[tilespmem:s21+$0x10] =	vst v0  }
0x21b: {  	v0 =	vld [tilespmem:s22+$0xFFFFFF90];
	p0 =	slt.u32 s10, $0xF0;
	[tilespmem:s21+$0x20] =	vst v1  }
0x21c: {  	v1 =	vld [tilespmem:s22+$0xFFFFFFA0];
	[tilespmem:s21+$0x30] =	vst v2  }
0x21d: {  	v2 =	vld [tilespmem:s22+$0xFFFFFFB0];
	[tilespmem:s21+$0x40] =	vst v3  }
0x21e: {  	v3 =	vld [tilespmem:s22+$0xFFFFFFC0];
	[tilespmem:s21+$0x50] =	vst v4  }
0x21f: {  	v4 =	vld [tilespmem:s22+$0xFFFFFFD0];
	[tilespmem:s21+$0x60] =	vst v5  }
0x220: {  	v5 =	vld [tilespmem:s22+$0xFFFFFFE0]  }
0x221: {  	v7 =	vld [tilespmem:s22+$0xFFFFFFF0]  }
0x222: {  	v6 =	vld.idx.msk [tilespmem:v6+s3+$0x0], $0xffff  }
0x223: {  	v8 =	vld [tilespmem:s22+$0x0]  }
0x224: {  	v9 =	vld [tilespmem:s22+$0x10]  }
0x225: {  	v10 =	vld [tilespmem:s22+$0x20]  }
0x226: {  	v11 =	vld [tilespmem:s22+$0x30]  }
0x227: {  	s21 =	sadd.s32 $0x100, s21;
	v12 =	vld [tilespmem:s22+$0x40]  }
0x228: {  	v13 =	vld [tilespmem:s22+$0x50];
	[tilespmem:s21+$0x70] =	vst v6  }
0x229: {  	v6 =	vld [tilespmem:s22+$0x60]  }
0x22a: {  	v14 =	vld [tilespmem:s22+$0xFFFFFF80]  }
0x22b: {  	v0 =	vld.idx.msk [tilespmem:v0+s3+$0x0], $0xffff  }
0x22c: {  	v1 =	vld.idx.msk [tilespmem:v1+s3+$0x0], $0xffff  }
0x22d: {  	v2 =	vld.idx.msk [tilespmem:v2+s3+$0x0], $0xffff  }
0x22e: {  	v3 =	vld.idx.msk [tilespmem:v3+s3+$0x0], $0xffff  }
0x22f: {  	v4 =	vld.idx.msk [tilespmem:v4+s3+$0x0], $0xffff  }
0x230: {  	v5 =	vld.idx.msk [tilespmem:v5+s3+$0x0], $0xffff  }
0x231: {  	[tilespmem:s21+$0xFFFFFF90] =	vst v0;
	v7 =	vld.idx.msk [tilespmem:v7+s3+$0x0], $0xffff  }
0x232: {  	v14 =	vld.idx.msk [tilespmem:v14+s3+$0x0], $0xffff;
	[tilespmem:s21+$0xFFFFFFA0] =	vst v1  }
0x233: {  	[tilespmem:s21+$0xFFFFFFB0] =	vst v2;
	v8 =	vld.idx.msk [tilespmem:v8+s3+$0x0], $0xffff  }
0x234: {  	[tilespmem:s21+$0xFFFFFFC0] =	vst v3;
	v0 =	vld.idx.msk [tilespmem:v9+s3+$0x0], $0xffff  }
.Ltmp6:
0x235: {  	[tilespmem:s21+$0xFFFFFFD0] =	vst v4;
	v1 =	vld.idx.msk [tilespmem:v10+s3+$0x0], $0xffff;
	(pc) =	sbr.rel @p0 .LBB2_14-.Ltmp6, $4  }
0x236: {  	[tilespmem:s21+$0xFFFFFFE0] =	vst v5;
	v2 =	vld.idx.msk [tilespmem:v11+s3+$0x0], $0xffff  }
0x237: {  	[tilespmem:s21+$0xFFFFFFF0] =	vst v7;
	v3 =	vld.idx.msk [tilespmem:v12+s3+$0x0], $0xffff  }
0x238: {  	[tilespmem:s21+$0xFFFFFF80] =	vst v14;
	v4 =	vld.idx.msk [tilespmem:v13+s3+$0x0], $0xffff  }
0x239: {  	s22 =	sadd.s32 $0x100, s22;
	[tilespmem:s21+$0x0] =	vst v8;
	v5 =	vld.idx.msk [tilespmem:v6+s3+$0x0], $0xffff  }
0x23a: {  	[tilespmem:s21+$0x10] =	vst v0  }
0x23b: {  	[tilespmem:s21+$0x20] =	vst v1  }
0x23c: {  	[tilespmem:s21+$0x30] =	vst v2  }
0x23d: {  	[tilespmem:s21+$0x40] =	vst v3  }
0x23e: {  	[tilespmem:s21+$0x50] =	vst v4  }
0x23f: {  	[tilespmem:s21+$0x60] =	vst v5  }
0x240: {  	[hbm4b:s18+s25] =	stream.strided.scatter [tilespmem:s30], [sflag:$0x5], $0x1000, s26, s25, $0x38;
	[tilespmem:$0x1F700] =	vst v63  }
0x241: {  	_ =	swait.ge [sflag:s2], $0x1000  }
0x242: {  	[sflag:s2] =	ssyncset.done $0x0  }
0x243: {  	[sflag:s2] =	ssyncadd.s32 $0xFFFFF000  }
0x244: {  	_ =	swait.ge [sflag:s6], $0x1000  }
0x245: {  	[sflag:s6] =	ssyncset.done $0x0  }
0x246: {  	s10 =	simm.s32 $0x1B780;
	[sflag:s6] =	ssyncadd.s32 $0xFFFFF000  }
0x247: {  	v0 =	vld [tilespmem:s10+$0x70]  }
0x248: {  	v1 =	vld [tilespmem:s10+$0xFFFFFF90]  }
0x249: {  	v2 =	vld [tilespmem:s10+$0xFFFFFFA0]  }
0x24a: {  	v3 =	vld [tilespmem:s10+$0xFFFFFFB0]  }
0x24b: {  	v4 =	vld [tilespmem:s10+$0xFFFFFFC0]  }
0x24c: {  	v5 =	vld [tilespmem:s10+$0xFFFFFFD0]  }
0x24d: {  	v6 =	vld [tilespmem:s10+$0xFFFFFFE0]  }
0x24e: {  	v7 =	vld [tilespmem:s10+$0xFFFFFFF0]  }
0x24f: {  	v8 =	vld [tilespmem:s10+$0x0]  }
0x250: {  	v9 =	vld [tilespmem:s10+$0x10]  }
0x251: {  	v10 =	vld [tilespmem:s10+$0x20]  }
0x252: {  	v11 =	vld [tilespmem:s10+$0x30]  }
0x253: {  	v12 =	vld [tilespmem:s10+$0x40]  }
0x254: {  	v13 =	vld [tilespmem:s10+$0x50]  }
0x255: {  	v14 =	vld [tilespmem:s10+$0x60]  }
0x256: {  	v15 =	vld [tilespmem:s10+$0xFFFFFF80]  }
0x257: {  	v0 =	vld.idx.msk [tilespmem:v0+s3+$0x0], $0xffff  }
0x258: {  	v1 =	vld.idx.msk [tilespmem:v1+s3+$0x0], $0xffff  }
0x259: {  	v2 =	vld.idx.msk [tilespmem:v2+s3+$0x0], $0xffff  }
0x25a: {  	v3 =	vld.idx.msk [tilespmem:v3+s3+$0x0], $0xffff  }
0x25b: {  	v4 =	vld.idx.msk [tilespmem:v4+s3+$0x0], $0xffff  }
0x25c: {  	s21 =	simm.s32 $0x1D780;
	v5 =	vld.idx.msk [tilespmem:v5+s3+$0x0], $0xffff  }
0x25d: {  	v6 =	vld.idx.msk [tilespmem:v6+s3+$0x0], $0xffff;
	[tilespmem:s21+$0x70] =	vst v0  }
0x25e: {  	v7 =	vld.idx.msk [tilespmem:v7+s3+$0x0], $0xffff;
	[tilespmem:s21+$0xFFFFFF90] =	vst v1  }
0x25f: {  	v15 =	vld.idx.msk [tilespmem:v15+s3+$0x0], $0xffff;
	[tilespmem:s21+$0xFFFFFFA0] =	vst v2  }
0x260: {  	v8 =	vld.idx.msk [tilespmem:v8+s3+$0x0], $0xffff;
	[tilespmem:s21+$0xFFFFFFB0] =	vst v3  }
0x261: {  	[tilespmem:s21+$0xFFFFFFC0] =	vst v4;
	v0 =	vld.idx.msk [tilespmem:v9+s3+$0x0], $0xffff  }
0x262: {  	[tilespmem:s21+$0xFFFFFFD0] =	vst v5;
	v1 =	vld.idx.msk [tilespmem:v10+s3+$0x0], $0xffff  }
0x263: {  	[tilespmem:s21+$0xFFFFFFE0] =	vst v6;
	v2 =	vld.idx.msk [tilespmem:v11+s3+$0x0], $0xffff  }
0x264: {  	[tilespmem:s21+$0xFFFFFFF0] =	vst v7;
	v3 =	vld.idx.msk [tilespmem:v12+s3+$0x0], $0xffff  }
0x265: {  	[tilespmem:s21+$0xFFFFFF80] =	vst v15;
	v4 =	vld.idx.msk [tilespmem:v13+s3+$0x0], $0xffff  }
0x266: {  	s22 =	simm.s32 $0x1B880;
	s10 =	simm.s32 $0x0;
	[tilespmem:s21+$0x0] =	vst v8;
	v5 =	vld.idx.msk [tilespmem:v14+s3+$0x0], $0xffff  }
.LBB2_16:
0x267: {  	v6 =	vld [tilespmem:s22+$0x70];
	s10 =	sadd.s32 $0x10, s10;
	[tilespmem:s21+$0x10] =	vst v0  }
0x268: {  	v0 =	vld [tilespmem:s22+$0xFFFFFF90];
	p0 =	slt.u32 s10, $0xF0;
	[tilespmem:s21+$0x20] =	vst v1  }
0x269: {  	v1 =	vld [tilespmem:s22+$0xFFFFFFA0];
	[tilespmem:s21+$0x30] =	vst v2  }
0x26a: {  	v2 =	vld [tilespmem:s22+$0xFFFFFFB0];
	[tilespmem:s21+$0x40] =	vst v3  }
0x26b: {  	v3 =	vld [tilespmem:s22+$0xFFFFFFC0];
	[tilespmem:s21+$0x50] =	vst v4  }
0x26c: {  	v4 =	vld [tilespmem:s22+$0xFFFFFFD0];
	[tilespmem:s21+$0x60] =	vst v5  }
0x26d: {  	v5 =	vld [tilespmem:s22+$0xFFFFFFE0]  }
0x26e: {  	v7 =	vld [tilespmem:s22+$0xFFFFFFF0]  }
0x26f: {  	v6 =	vld.idx.msk [tilespmem:v6+s3+$0x0], $0xffff  }
0x270: {  	v8 =	vld [tilespmem:s22+$0x0]  }
0x271: {  	v9 =	vld [tilespmem:s22+$0x10]  }
0x272: {  	v10 =	vld [tilespmem:s22+$0x20]  }
0x273: {  	v11 =	vld [tilespmem:s22+$0x30]  }
0x274: {  	s21 =	sadd.s32 $0x100, s21;
	v12 =	vld [tilespmem:s22+$0x40]  }
0x275: {  	v13 =	vld [tilespmem:s22+$0x50];
	[tilespmem:s21+$0x70] =	vst v6  }
0x276: {  	v6 =	vld [tilespmem:s22+$0x60]  }
0x277: {  	v14 =	vld [tilespmem:s22+$0xFFFFFF80]  }
0x278: {  	v0 =	vld.idx.msk [tilespmem:v0+s3+$0x0], $0xffff  }
0x279: {  	v1 =	vld.idx.msk [tilespmem:v1+s3+$0x0], $0xffff  }
0x27a: {  	v2 =	vld.idx.msk [tilespmem:v2+s3+$0x0], $0xffff  }
0x27b: {  	v3 =	vld.idx.msk [tilespmem:v3+s3+$0x0], $0xffff  }
0x27c: {  	v4 =	vld.idx.msk [tilespmem:v4+s3+$0x0], $0xffff  }
0x27d: {  	v5 =	vld.idx.msk [tilespmem:v5+s3+$0x0], $0xffff  }
0x27e: {  	[tilespmem:s21+$0xFFFFFF90] =	vst v0;
	v7 =	vld.idx.msk [tilespmem:v7+s3+$0x0], $0xffff  }
0x27f: {  	v14 =	vld.idx.msk [tilespmem:v14+s3+$0x0], $0xffff;
	[tilespmem:s21+$0xFFFFFFA0] =	vst v1  }
0x280: {  	[tilespmem:s21+$0xFFFFFFB0] =	vst v2;
	v8 =	vld.idx.msk [tilespmem:v8+s3+$0x0], $0xffff  }
0x281: {  	[tilespmem:s21+$0xFFFFFFC0] =	vst v3;
	v0 =	vld.idx.msk [tilespmem:v9+s3+$0x0], $0xffff  }
.Ltmp7:
0x282: {  	[tilespmem:s21+$0xFFFFFFD0] =	vst v4;
	v1 =	vld.idx.msk [tilespmem:v10+s3+$0x0], $0xffff;
	(pc) =	sbr.rel @p0 .LBB2_16-.Ltmp7, $4  }
0x283: {  	[tilespmem:s21+$0xFFFFFFE0] =	vst v5;
	v2 =	vld.idx.msk [tilespmem:v11+s3+$0x0], $0xffff  }
0x284: {  	[tilespmem:s21+$0xFFFFFFF0] =	vst v7;
	v3 =	vld.idx.msk [tilespmem:v12+s3+$0x0], $0xffff  }
0x285: {  	[tilespmem:s21+$0xFFFFFF80] =	vst v14;
	v4 =	vld.idx.msk [tilespmem:v13+s3+$0x0], $0xffff  }
0x286: {  	s22 =	sadd.s32 $0x100, s22;
	[tilespmem:s21+$0x0] =	vst v8;
	v5 =	vld.idx.msk [tilespmem:v6+s3+$0x0], $0xffff  }
0x287: {  	[tilespmem:s21+$0x10] =	vst v0  }
0x288: {  	[tilespmem:s21+$0x20] =	vst v1  }
0x289: {  	[tilespmem:s21+$0x30] =	vst v2  }
0x28a: {  	[tilespmem:s21+$0x40] =	vst v3  }
0x28b: {  	[tilespmem:s21+$0x50] =	vst v4  }
0x28c: {  	[tilespmem:s21+$0x60] =	vst v5  }
0x28d: {  	[hbm4b:s19+s25] =	stream.strided.scatter [tilespmem:s0], [sflag:$0x6], $0x1000, s26, s25, $0x38;
	[tilespmem:$0x1F700] =	vst v63  }
0x28e: {  	_ =	swait.ge [sflag:s7], $0x1000  }
0x28f: {  	[sflag:s7] =	ssyncset.done $0x0  }
0x290: {  	s8 =	sadd.s32 $0x1, s8;
	[sflag:s7] =	ssyncadd.s32 $0xFFFFF000  }
0x291: {  	p0 =	sne.s32 s8, s20;
	_ =	swait.ge [sflag:s5], $0x1000  }
.Ltmp8:
0x292: {  	[sflag:s5] =	ssyncset.done $0x0;
	(pc) =	sbr.rel @p0 .LBB2_1-.Ltmp8, $4  }
0x293: {  	[sflag:s5] =	ssyncadd.s32 $0xFFFFF000  }
0x294: {  	_ =	swait.ge [sflag:s6], $0x1000  }
0x295: {  	[sflag:s6] =	ssyncset.done $0x0  }
0x296: {  	[sflag:s6] =	ssyncadd.s32 $0xFFFFF000  }
0x297: {  	_ =	sfence.sel $0x180000  }
0x298: {  	[bflag:$0x0] =	sbarrier.arrive $0xFFFF  }
0x299: {  	_ =	strace $0x90000047  }
0x29a: {  	s0 =	stileid.u32;
	[bflag:$0x2] =	sbarrier.arrive $0xFFFF  }
0x29b: {  	p0 =	sne.s32 s0, $0x0;
	s0 =	rddreg [dreg:$0x4]  }
0x29c: {  	s0 =	sadd.s32 @!p0 $0x100000, s0  }
0x29d: {  	[sflag:s0] =	ssyncadd.tile.s32 @!p0 $0x1;
	_ =	shalt  }
.Lfunc_end2:
_tile_overlayer_lowered:
.L_overlay_start_2:
0x29e: {  	(tag) =	ssettag $0x2  }
0x29f: {  	s0 =	rddreg [dreg:$0x0];
	s2 =	stileid.u32  }
0x2a0: {  	s1 =	rddreg [dreg:$0x1];
	p0 =	sne.s32 s2, $0x0  }
0x2a1: {  	s3 =	rddreg [dreg:$0x2];
	[bflag:$0x3] =	sbarrier.arrive $0xFFFF;
	s2 =	simm.s32 @!p0 $0x1C08  }
0x2a2: {  	[timem:s3], [sflag:s2] =	dma.local @!p0 [hbm:s0], s1  }
0x2a3: {  	s0 =	simm.s32 @!p0 $0x8  }
0x2a4: {  	_ =	swait.ge @!p0 [sflag:s0], s1  }
0x2a5: {  	s1 =	ssub.s32 @!p0 $0x0, s1;
	[sflag:s0] =	ssyncset.done @!p0 $0x0  }
0x2a6: {  	[sflag:s0] =	ssyncadd.s32 @!p0 s1  }
0x2a7: {  	[bflag:$0x3] =	sbarrier.arrive $0xFFFF  }
0x2a8: {  	_ =	shalt  }

</sc_bundles>
